<compile_context>
chip_gen: v7x
topology: tpu7x:2x2x1
jax: 0.10.2.dev20260603
libtpu: 0.0.44.dev20260713+nightly
codegen_flags: <defaults>
</compile_context>

<pallas_src>
import jax
import jax.numpy as jnp
from jax import lax
from jax.experimental import pallas as pl
from jax.experimental.pallas import tpu as pltpu
from jax.experimental.pallas import tpu_sc as plsc

N = 10000
E = 320000
D = 128

NC = 2
NS = 16
NW = NC * NS
K = 112
CH = 90
EPT = CH * K
EPAD = NW * EPT
NPAD = 10112
RS = NPAD // NS
DW = 16

_mesh = plsc.VectorSubcoreMesh(core_axis_name="c", subcore_axis_name="s")


def _agg_body(g_hbm, srcs_hbm, dsts_hbm, zrows_hbm, acc_out,
              src_v, dst_v, rows_0, rows_1, acc,
              gsem_0, gsem_1, ssem_0, ssem_1):
    c = lax.axis_index("c")
    s = lax.axis_index("s")
    wid = c * NS + s
    bufs = (rows_0, rows_1)
    gsems = (gsem_0, gsem_1)
    ssems = (ssem_0, ssem_1)

    pltpu.sync_copy(zrows_hbm.at[pl.ds(s * RS, RS)], acc.at[pl.ds(s * RS, RS)])
    pltpu.sync_copy(srcs_hbm.at[wid], src_v)
    pltpu.sync_copy(dsts_hbm.at[wid], dst_v)
    plsc.subcore_barrier()

    def gather(t, b):
        return pltpu.make_async_copy(
            g_hbm.at[src_v.at[pl.ds(t * K, K)]], bufs[b], gsems[b])

    def scatter_wait(b):
        pltpu.make_async_copy(
            bufs[b], acc.at[dst_v.at[pl.ds(0, K)]], ssems[b]).wait()

    gather(0, 0).start()
    gather(1, 1).start()

    def step(p, carry):
        t0 = 2 * p
        for i in range(2):
            t = t0 + i
            b = i
            b1 = (i + 1) % 2
            gather(t, b).wait()
            pltpu.async_copy(bufs[b], acc.at[dst_v.at[pl.ds(t * K, K)]],
                             ssems[b], add=True)
            nxt = t + 1

            @pl.when((nxt >= 2) & (nxt < CH))
            def _():
                scatter_wait(b1)
                gather(nxt, b1).start()

        return carry

    lax.fori_loop(0, CH // 2, step, 0)
    scatter_wait(0)
    scatter_wait(1)
    plsc.subcore_barrier()

    pltpu.sync_copy(acc.at[pl.ds(s * RS, RS)],
                    acc_out.at[c].at[pl.ds(s * RS, RS)])


_sc_agg = pl.kernel(
    _agg_body,
    mesh=_mesh,
    out_type=[jax.ShapeDtypeStruct((NC, NPAD, D), jnp.float32)],
    scratch_types=[
        pltpu.VMEM((EPT,), jnp.int32),
        pltpu.VMEM((EPT,), jnp.int32),
        pltpu.VMEM((K, D), jnp.float32),
        pltpu.VMEM((K, D), jnp.float32),
        pltpu.VMEM_SHARED((NPAD, D), jnp.float32),
        pltpu.SemaphoreType.DMA,
        pltpu.SemaphoreType.DMA,
        pltpu.SemaphoreType.DMA,
        pltpu.SemaphoreType.DMA,
    ],
)


NDEG = 10240
ZR = NDEG // NS


def _deg_body(dsts_hbm, ones_hbm, deg_out, dst_v, ones_v, tmp_v, big_v, dacc):
    c = lax.axis_index("c")
    s = lax.axis_index("s")
    wid = c * NS + s

    def zstep(i, carry):
        tmp_v[pl.ds(i * 16, 16)] = jnp.zeros((16,), jnp.float32)
        return carry

    lax.fori_loop(0, ZR // 16, zstep, 0)
    pltpu.sync_copy(tmp_v, dacc.at[pl.ds(s * ZR, ZR)])
    pltpu.sync_copy(ones_hbm, ones_v)
    pltpu.sync_copy(dsts_hbm.at[wid], dst_v)
    plsc.subcore_barrier()

    def step(j, carry):
        pltpu.sync_copy(ones_v, dacc.at[dst_v.at[j]], add=True)
        return carry

    lax.fori_loop(0, CH, step, 0)
    plsc.subcore_barrier()

    @pl.when(s == 0)
    def _():
        pltpu.sync_copy(dacc, big_v)
        pltpu.sync_copy(big_v, deg_out.at[c * 8])


_sc_deg = pl.kernel(
    _deg_body,
    mesh=_mesh,
    out_type=[jax.ShapeDtypeStruct((16, NDEG), jnp.float32)],
    scratch_types=[
        pltpu.VMEM((CH, K), jnp.int32),
        pltpu.VMEM((K,), jnp.float32),
        pltpu.VMEM((ZR,), jnp.float32),
        pltpu.VMEM((NDEG,), jnp.float32),
        pltpu.VMEM_SHARED((NDEG,), jnp.float32),
    ],
)

_ROWS_BLK = 2000
_GRID = N // _ROWS_BLK


def _tc1_body(x_ref, wn_ref, ws_ref, b_ref, g_ref, s_ref):
    xb = x_ref[...]
    g_ref[...] = jnp.dot(xb, wn_ref[...], preferred_element_type=jnp.float32)
    s_ref[...] = jnp.dot(xb, ws_ref[...],
                         preferred_element_type=jnp.float32) + b_ref[...]


def _tc2_body(s1_ref, a0_ref, a1_ref, d0_ref, d1_ref, wn_ref, ws_ref, b_ref,
              g_ref, s_ref):
    deg = d0_ref[...] + d1_ref[...]
    rdeg = 1.0 / jnp.maximum(deg, 1.0)
    h = jnp.maximum(s1_ref[...] + (a0_ref[...] + a1_ref[...]) * rdeg, 0.0)
    g_ref[...] = jnp.dot(h, wn_ref[...], preferred_element_type=jnp.float32)
    s_ref[...] = jnp.dot(h, ws_ref[...],
                         preferred_element_type=jnp.float32) + b_ref[...]


def _tc3_body(s2_ref, a0_ref, a1_ref, d0_ref, d1_ref, o_ref):
    deg = d0_ref[...] + d1_ref[...]
    rdeg = 1.0 / jnp.maximum(deg, 1.0)
    o_ref[...] = s2_ref[...] + (a0_ref[...] + a1_ref[...]) * rdeg


def _row_spec(w):
    return pl.BlockSpec((_ROWS_BLK, w), lambda i: (i, 0))


def _full_spec(h, w):
    return pl.BlockSpec((h, w), lambda i: (0, 0))


_tc1 = pl.pallas_call(
    _tc1_body,
    grid=(_GRID,),
    in_specs=[_row_spec(D), _full_spec(D, D), _full_spec(D, D),
              _full_spec(1, D)],
    out_specs=[_row_spec(D), _row_spec(D)],
    out_shape=[jax.ShapeDtypeStruct((N, D), jnp.float32)] * 2,
)

_tc2 = pl.pallas_call(
    _tc2_body,
    grid=(_GRID,),
    in_specs=[_row_spec(D), _row_spec(D), _row_spec(D), _row_spec(1),
              _row_spec(1), _full_spec(D, D), _full_spec(D, D),
              _full_spec(1, D)],
    out_specs=[_row_spec(D), _row_spec(D)],
    out_shape=[jax.ShapeDtypeStruct((N, D), jnp.float32)] * 2,
)

_tc3 = pl.pallas_call(
    _tc3_body,
    grid=(_GRID,),
    in_specs=[_row_spec(D), _row_spec(D), _row_spec(D), _row_spec(1),
              _row_spec(1)],
    out_specs=_row_spec(D),
    out_shape=jax.ShapeDtypeStruct((N, D), jnp.float32),
)


def kernel(x, edge_index, W_neigh1, W_self1, b1, W_neigh2, W_self2, b2):
    ei = edge_index.astype(jnp.int32)
    ppw = EPT - E // NW
    src_p = jnp.concatenate(
        [ei[0].reshape(NW, E // NW),
         jnp.zeros((NW, ppw), jnp.int32)], axis=1).reshape(NW, EPT)
    dst_p = jnp.concatenate(
        [ei[1].reshape(NW, E // NW),
         jnp.full((NW, ppw), N, jnp.int32)], axis=1).reshape(NW, EPT)
    dst_p3 = dst_p.reshape(NW, CH, K)
    zrows = jnp.zeros((NPAD, D), jnp.float32)
    ones = jnp.ones((K,), jnp.float32)

    (degv,) = _sc_deg(dst_p3, ones)
    d0 = degv[0, :N].reshape(N, 1)
    d1 = degv[8, :N].reshape(N, 1)
    g1, s1 = _tc1(x, W_neigh1, W_self1, b1[None, :])
    (acc1,) = _sc_agg(g1, src_p, dst_p, zrows)
    g2, s2 = _tc2(s1, acc1[0, :N], acc1[1, :N], d0, d1,
                  W_neigh2, W_self2, b2[None, :])
    (acc2,) = _sc_agg(g2, src_p, dst_p, zrows)
    return _tc3(s2, acc2[0, :N], acc2[1, :N], d0, d1)

# --- scband reference (transcript-rebuilt; emitter-appended) ---
"""Pipeline reference for scband-dist-sage-55027120997010 (READ-ONLY COPY).

The authoritative reference and input builder live on the scoring server;
editing this copy changes nothing except your own understanding.
"""

import jax, jax.numpy as jnp
import numpy as np

N_NODES = 10000
N_EDGES = 320000
D_IN = 128
D_HID = 128
D_OUT = 128


def setup_inputs(seed: int = 0) -> dict:
    key = jax.random.key(seed)
    ks = jax.random.split(key, 9)
    x = jax.random.normal(ks[0], (N_NODES, D_IN), dtype=jnp.float32)
    edge_index = jax.random.randint(ks[1], (2, N_EDGES), 0, N_NODES, dtype=jnp.int64)
    # Layer 1: SAGEConv(in=128, hidden=128, aggregator='mean')
    W_neigh1 = jax.random.normal(ks[2], (D_IN, D_HID), dtype=jnp.float32) / np.sqrt(D_IN)
    W_self1 = jax.random.normal(ks[3], (D_IN, D_HID), dtype=jnp.float32) / np.sqrt(D_IN)
    b1 = jnp.zeros((D_HID,), dtype=jnp.float32)
    # Layer 2: SAGEConv(hidden=128, out=128, aggregator='mean')
    W_neigh2 = jax.random.normal(ks[4], (D_HID, D_OUT), dtype=jnp.float32) / np.sqrt(D_HID)
    W_self2 = jax.random.normal(ks[5], (D_HID, D_OUT), dtype=jnp.float32) / np.sqrt(D_HID)
    b2 = jnp.zeros((D_OUT,), dtype=jnp.float32)
    return {"x": x, "edge_index": edge_index,
            "W_neigh1": W_neigh1, "W_self1": W_self1, "b1": b1,
            "W_neigh2": W_neigh2, "W_self2": W_self2, "b2": b2}


def _sage_conv(h, src, dst, W_neigh, W_self, b):
    # mean aggregation over incoming edges (dst <- src)
    msgs = jnp.take(h, src, axis=0)                               # gather  [E, d]
    agg = jax.ops.segment_sum(msgs, dst, num_segments=N_NODES)    # scatter-add [N, d]
    deg = jax.ops.segment_sum(jnp.ones((msgs.shape[0],), dtype=h.dtype), dst,
                              num_segments=N_NODES)
    h_neigh = agg / jnp.clip(deg, 1.0, None)[:, None]
    return h @ W_self + h_neigh @ W_neigh + b


def reference(x, edge_index, W_neigh1, W_self1, b1, W_neigh2, W_self2, b2):
    src = edge_index[0]
    dst = edge_index[1]
    h = _sage_conv(x, src, dst, W_neigh1, W_self1, b1)
    h = jax.nn.relu(h)
    # dropout p=0.0 -> identity
    h = _sage_conv(h, src, dst, W_neigh2, W_self2, b2)
    return h

if __name__ == "__main__":
    import jax
    _d = setup_inputs()
    print(jax.jit(kernel)(*tuple(_d.values())))

</pallas_src>

<mosaic_0001>
#map = affine_map<(d0, d1) -> (0, 0, 0)>
#map1 = affine_map<(d0, d1) -> (0)>
#map2 = affine_map<(d0, d1) -> (0, 0)>
module attributes {stable_mosaic.version = 14 : i64} {
  func.func @_deg_body(%arg0: i32, %arg1: i32, %arg2: memref<32x90x112xi32, #tpu.memory_space<hbm>>, %arg3: memref<112xf32, #tpu.memory_space<hbm>>, %arg4: memref<16x10240xf32, #tpu.memory_space<hbm>>, %arg5: memref<90x112xi32, #tpu.memory_space<vmem>>, %arg6: memref<112xf32, #tpu.memory_space<vmem>>, %arg7: memref<640xf32, #tpu.memory_space<vmem>>, %arg8: memref<10240xf32, #tpu.memory_space<vmem>>, %arg9: memref<10240xf32, #tpu.memory_space<vmem_shared>>) attributes {dimension_semantics = [#tpu.dimension_semantics<core_parallel>, #tpu.dimension_semantics<subcore_parallel>], iteration_bounds = array<i64: 2, 16>, scalar_prefetch = 0 : i64, scratch_operands = 5 : i64, tpu.core_type = #tpu.core_type<sc_vector_subcore>, window_params = [{transform_indices = #map}, {transform_indices = #map1}, {transform_indices = #map2}]} {
    %mul3A = arith.constant 16 : i32
    %mul3A_0 = arith.muli %arg0, %mul3A : i32
    %add3A = arith.addi %mul3A_0, %arg1 : i32
    %scan3A = arith.constant 0 : i32
    %scan3A_1 = arith.constant 0 : i32
    %scan3A_2 = arith.constant 40 : i32
    %scan3A_3 = arith.addi %scan3A_1, %scan3A_2 : i32
    %scan3A_4 = arith.constant 1 : i32
    scf.for %scan3A_17 = %scan3A_1 to %scan3A_3 step %scan3A_4  : i32 {
      %broadcast_in_dim3A = arith.constant 0.000000e+00 : f32
      %broadcast_in_dim3A_18 = vector.broadcast %broadcast_in_dim3A : f32 to vector<16xf32>
      %mul3A_19 = arith.constant 16 : i32
      %mul3A_20 = arith.muli %scan3A_17, %mul3A_19 : i32
      %swap3A = arith.index_cast %mul3A_20 : i32 to index
      %swap3A_21 = tpu.vector_load %arg7[%swap3A] {strides = array<i32>} : memref<640xf32, #tpu.memory_space<vmem>>, vector<16xf32>,
      %swap3A_22 = vector.shape_cast %swap3A_21 : vector<16xf32> to vector<16xf32>
      %swap3A_23 = vector.shape_cast %broadcast_in_dim3A_18 : vector<16xf32> to vector<16xf32>
      tpu.vector_store %arg7[%swap3A], %swap3A_23 {strides = array<i32>} : memref<640xf32, #tpu.memory_space<vmem>>, vector<16xf32>,
    }
    %scan3A_5 = arith.constant 40 : i32
    %mul3A_6 = arith.constant 640 : i32
    %mul3A_7 = arith.muli %arg1, %mul3A_6 : i32
    "tpu.region"() ({
      %run_scoped3A = tpu.sem_alloc : memref<!tpu.dma_semaphore, #tpu.memory_space<semaphore_mem>>
      %dma_start3A = tpu.memref_slice %arg9[%mul3A_7] : memref<10240xf32, #tpu.memory_space<vmem_shared>> -> memref<640xf32, #tpu.memory_space<vmem_shared>>
      %dma_start3A_17 = tpu.memref_slice %arg9[%mul3A_7] : memref<10240xf32, #tpu.memory_space<vmem_shared>> -> memref<640xf32, #tpu.memory_space<vmem_shared>>
      tpu.enqueue_dma source(%arg7 : memref<640xf32, #tpu.memory_space<vmem>>) target(%dma_start3A_17 : memref<640xf32, #tpu.memory_space<vmem_shared>>) target_semaphore(%run_scoped3A : memref<!tpu.dma_semaphore, #tpu.memory_space<semaphore_mem>>)
      %dma_wait3A = tpu.memref_slice %arg9[%mul3A_7] : memref<10240xf32, #tpu.memory_space<vmem_shared>> -> memref<640xf32, #tpu.memory_space<vmem_shared>>
      %dma_wait3A_18 = tpu.memref_slice %arg9[%mul3A_7] : memref<10240xf32, #tpu.memory_space<vmem_shared>> -> memref<640xf32, #tpu.memory_space<vmem_shared>>
      tpu.wait_dma2 semaphore(%run_scoped3A : memref<!tpu.dma_semaphore, #tpu.memory_space<semaphore_mem>>) src(%arg7 : memref<640xf32, #tpu.memory_space<vmem>>) dst(%dma_wait3A_18 : memref<640xf32, #tpu.memory_space<vmem_shared>>)
      tpu.yield
    }) : () -> ()
    "tpu.region"() ({
      %run_scoped3A = tpu.sem_alloc : memref<!tpu.dma_semaphore, #tpu.memory_space<semaphore_mem>>
      tpu.enqueue_dma source(%arg3 : memref<112xf32, #tpu.memory_space<hbm>>) target(%arg6 : memref<112xf32, #tpu.memory_space<vmem>>) target_semaphore(%run_scoped3A : memref<!tpu.dma_semaphore, #tpu.memory_space<semaphore_mem>>)
      tpu.wait_dma2 semaphore(%run_scoped3A : memref<!tpu.dma_semaphore, #tpu.memory_space<semaphore_mem>>) src(%arg3 : memref<112xf32, #tpu.memory_space<hbm>>) dst(%arg6 : memref<112xf32, #tpu.memory_space<vmem>>)
      tpu.yield
    }) : () -> ()
    "tpu.region"() ({
      %run_scoped3A = tpu.sem_alloc : memref<!tpu.dma_semaphore, #tpu.memory_space<semaphore_mem>>
      %dma_start3A = arith.constant 0 : i32
      %dma_start3A_17 = arith.constant 0 : i32
      %dma_start3A_18 = tpu.memref_slice %arg2[%add3A, %dma_start3A, %dma_start3A_17] : memref<32x90x112xi32, #tpu.memory_space<hbm>> -> memref<1x90x112xi32, #tpu.memory_space<hbm>>
      %dma_start3A_19 = tpu.memref_squeeze %dma_start3A_18 : memref<1x90x112xi32, #tpu.memory_space<hbm>> -> memref<90x112xi32, #tpu.memory_space<hbm>>
      %dma_start3A_20 = arith.constant 0 : i32
      %dma_start3A_21 = arith.constant 0 : i32
      %dma_start3A_22 = tpu.memref_slice %arg2[%add3A, %dma_start3A_20, %dma_start3A_21] : memref<32x90x112xi32, #tpu.memory_space<hbm>> -> memref<1x90x112xi32, #tpu.memory_space<hbm>>
      %dma_start3A_23 = tpu.memref_squeeze %dma_start3A_22 : memref<1x90x112xi32, #tpu.memory_space<hbm>> -> memref<90x112xi32, #tpu.memory_space<hbm>>
      tpu.enqueue_dma source(%dma_start3A_23 : memref<90x112xi32, #tpu.memory_space<hbm>>) target(%arg5 : memref<90x112xi32, #tpu.memory_space<vmem>>) target_semaphore(%run_scoped3A : memref<!tpu.dma_semaphore, #tpu.memory_space<semaphore_mem>>)
      %dma_wait3A = arith.constant 0 : i32
      %dma_wait3A_24 = arith.constant 0 : i32
      %dma_wait3A_25 = tpu.memref_slice %arg2[%add3A, %dma_wait3A, %dma_wait3A_24] : memref<32x90x112xi32, #tpu.memory_space<hbm>> -> memref<1x90x112xi32, #tpu.memory_space<hbm>>
      %dma_wait3A_26 = tpu.memref_squeeze %dma_wait3A_25 : memref<1x90x112xi32, #tpu.memory_space<hbm>> -> memref<90x112xi32, #tpu.memory_space<hbm>>
      %dma_wait3A_27 = arith.constant 0 : i32
      %dma_wait3A_28 = arith.constant 0 : i32
      %dma_wait3A_29 = tpu.memref_slice %arg2[%add3A, %dma_wait3A_27, %dma_wait3A_28] : memref<32x90x112xi32, #tpu.memory_space<hbm>> -> memref<1x90x112xi32, #tpu.memory_space<hbm>>
      %dma_wait3A_30 = tpu.memref_squeeze %dma_wait3A_29 : memref<1x90x112xi32, #tpu.memory_space<hbm>> -> memref<90x112xi32, #tpu.memory_space<hbm>>
      tpu.wait_dma2 semaphore(%run_scoped3A : memref<!tpu.dma_semaphore, #tpu.memory_space<semaphore_mem>>) src(%dma_wait3A_30 : memref<90x112xi32, #tpu.memory_space<hbm>>) dst(%arg5 : memref<90x112xi32, #tpu.memory_space<vmem>>)
      tpu.yield
    }) : () -> ()
    %barrier3A = arith.constant 0 : index
    tpu.barrier barrier_id(%barrier3A)
    %scan3A_8 = arith.constant 0 : i32
    %scan3A_9 = arith.constant 0 : i32
    %scan3A_10 = arith.constant 90 : i32
    %scan3A_11 = arith.addi %scan3A_9, %scan3A_10 : i32
    %scan3A_12 = arith.constant 1 : i32
    scf.for %scan3A_17 = %scan3A_9 to %scan3A_11 step %scan3A_12  : i32 {
      "tpu.region"() ({
        %run_scoped3A = tpu.sem_alloc : memref<!tpu.dma_semaphore, #tpu.memory_space<semaphore_mem>>
        %dma_start3A = arith.constant 0 : i32
        %dma_start3A_18 = tpu.memref_slice %arg5[%scan3A_17, %dma_start3A] : memref<90x112xi32, #tpu.memory_space<vmem>> -> memref<1x112xi32, #tpu.memory_space<vmem>>
        %dma_start3A_19 = tpu.memref_squeeze %dma_start3A_18 : memref<1x112xi32, #tpu.memory_space<vmem>> -> memref<112xi32, #tpu.memory_space<vmem>>
        %dma_start3A_20 = arith.constant 0 : i32
        %dma_start3A_21 = tpu.memref_slice %arg9[%dma_start3A_20] : memref<10240xf32, #tpu.memory_space<vmem_shared>> -> memref<10240xf32, #tpu.memory_space<vmem_shared>>
        tpu.enqueue_indirect_dma source(%arg6 : memref<112xf32, #tpu.memory_space<vmem>>) target(%dma_start3A_21 : memref<10240xf32, #tpu.memory_space<vmem_shared>>) offsets(%dma_start3A_19 : memref<112xi32, #tpu.memory_space<vmem>>) semaphore(%run_scoped3A : memref<!tpu.dma_semaphore, #tpu.memory_space<semaphore_mem>>) {add = true}
        %dma_wait3A = arith.constant 0 : i32
        %dma_wait3A_22 = tpu.memref_slice %arg5[%scan3A_17, %dma_wait3A] : memref<90x112xi32, #tpu.memory_space<vmem>> -> memref<1x112xi32, #tpu.memory_space<vmem>>
        %dma_wait3A_23 = tpu.memref_squeeze %dma_wait3A_22 : memref<1x112xi32, #tpu.memory_space<vmem>> -> memref<112xi32, #tpu.memory_space<vmem>>
        %dma_wait3A_24 = arith.constant 0 : i32
        %dma_wait3A_25 = tpu.memref_slice %arg9[%dma_wait3A_24] : memref<10240xf32, #tpu.memory_space<vmem_shared>> -> memref<10240xf32, #tpu.memory_space<vmem_shared>>
        tpu.wait_indirect_dma semaphore(%run_scoped3A : memref<!tpu.dma_semaphore, #tpu.memory_space<semaphore_mem>>) src(%arg6 : memref<112xf32, #tpu.memory_space<vmem>>) dst(%dma_wait3A_25 : memref<10240xf32, #tpu.memory_space<vmem_shared>>)
        tpu.yield
      }) : () -> ()
    }
    %scan3A_13 = arith.constant 90 : i32
    %barrier3A_14 = arith.constant 0 : index
    tpu.barrier barrier_id(%barrier3A_14)
    %eq3A = arith.constant 0 : i32
    %eq3A_15 = arith.cmpi eq, %arg1, %eq3A : i32
    %convert_element_type3A = arith.extui %eq3A_15 : i1 to i32
    %cond3A = arith.constant 0 : i32
    %cond3A_16 = arith.cmpi ne, %convert_element_type3A, %cond3A : i32
    scf.if %cond3A_16 {
      "tpu.region"() ({
        %run_scoped3A = tpu.sem_alloc : memref<!tpu.dma_semaphore, #tpu.memory_space<semaphore_mem>>
        tpu.enqueue_dma source(%arg9 : memref<10240xf32, #tpu.memory_space<vmem_shared>>) target(%arg8 : memref<10240xf32, #tpu.memory_space<vmem>>) target_semaphore(%run_scoped3A : memref<!tpu.dma_semaphore, #tpu.memory_space<semaphore_mem>>)
        tpu.wait_dma2 semaphore(%run_scoped3A : memref<!tpu.dma_semaphore, #tpu.memory_space<semaphore_mem>>) src(%arg9 : memref<10240xf32, #tpu.memory_space<vmem_shared>>) dst(%arg8 : memref<10240xf32, #tpu.memory_space<vmem>>)
        tpu.yield
      }) : () -> ()
      %mul3A_17 = arith.constant 8 : i32
      %mul3A_18 = arith.muli %arg0, %mul3A_17 : i32
      "tpu.region"() ({
        %run_scoped3A = tpu.sem_alloc : memref<!tpu.dma_semaphore, #tpu.memory_space<semaphore_mem>>
        %dma_start3A = arith.constant 0 : i32
        %dma_start3A_19 = tpu.memref_slice %arg4[%mul3A_18, %dma_start3A] : memref<16x10240xf32, #tpu.memory_space<hbm>> -> memref<1x10240xf32, #tpu.memory_space<hbm>>
        %dma_start3A_20 = tpu.memref_squeeze %dma_start3A_19 : memref<1x10240xf32, #tpu.memory_space<hbm>> -> memref<10240xf32, #tpu.memory_space<hbm>>
        %dma_start3A_21 = arith.constant 0 : i32
        %dma_start3A_22 = tpu.memref_slice %arg4[%mul3A_18, %dma_start3A_21] : memref<16x10240xf32, #tpu.memory_space<hbm>> -> memref<1x10240xf32, #tpu.memory_space<hbm>>
        %dma_start3A_23 = tpu.memref_squeeze %dma_start3A_22 : memref<1x10240xf32, #tpu.memory_space<hbm>> -> memref<10240xf32, #tpu.memory_space<hbm>>
        tpu.enqueue_dma source(%arg8 : memref<10240xf32, #tpu.memory_space<vmem>>) target(%dma_start3A_23 : memref<10240xf32, #tpu.memory_space<hbm>>) target_semaphore(%run_scoped3A : memref<!tpu.dma_semaphore, #tpu.memory_space<semaphore_mem>>)
        %dma_wait3A = arith.constant 0 : i32
        %dma_wait3A_24 = tpu.memref_slice %arg4[%mul3A_18, %dma_wait3A] : memref<16x10240xf32, #tpu.memory_space<hbm>> -> memref<1x10240xf32, #tpu.memory_space<hbm>>
        %dma_wait3A_25 = tpu.memref_squeeze %dma_wait3A_24 : memref<1x10240xf32, #tpu.memory_space<hbm>> -> memref<10240xf32, #tpu.memory_space<hbm>>
        %dma_wait3A_26 = arith.constant 0 : i32
        %dma_wait3A_27 = tpu.memref_slice %arg4[%mul3A_18, %dma_wait3A_26] : memref<16x10240xf32, #tpu.memory_space<hbm>> -> memref<1x10240xf32, #tpu.memory_space<hbm>>
        %dma_wait3A_28 = tpu.memref_squeeze %dma_wait3A_27 : memref<1x10240xf32, #tpu.memory_space<hbm>> -> memref<10240xf32, #tpu.memory_space<hbm>>
        tpu.wait_dma2 semaphore(%run_scoped3A : memref<!tpu.dma_semaphore, #tpu.memory_space<semaphore_mem>>) src(%arg8 : memref<10240xf32, #tpu.memory_space<vmem>>) dst(%dma_wait3A_28 : memref<10240xf32, #tpu.memory_space<hbm>>)
        tpu.yield
      }) : () -> ()
    } else {
    }
    return
  }
}

#map = affine_map<(d0, d1) -> (0, 0)>
#map1 = affine_map<(d0, d1) -> (0, 0, 0)>
module attributes {stable_mosaic.version = 14 : i64} {
  func.func @_agg_body(%arg0: i32, %arg1: i32, %arg2: memref<10000x128xf32, #tpu.memory_space<hbm>>, %arg3: memref<32x10080xi32, #tpu.memory_space<hbm>>, %arg4: memref<32x10080xi32, #tpu.memory_space<hbm>>, %arg5: memref<10112x128xf32, #tpu.memory_space<hbm>>, %arg6: memref<2x10112x128xf32, #tpu.memory_space<hbm>>, %arg7: memref<10080xi32, #tpu.memory_space<vmem>>, %arg8: memref<10080xi32, #tpu.memory_space<vmem>>, %arg9: memref<112x128xf32, #tpu.memory_space<vmem>>, %arg10: memref<112x128xf32, #tpu.memory_space<vmem>>, %arg11: memref<10112x128xf32, #tpu.memory_space<vmem_shared>>, %arg12: memref<!tpu.dma_semaphore, #tpu.memory_space<semaphore_mem>>, %arg13: memref<!tpu.dma_semaphore, #tpu.memory_space<semaphore_mem>>, %arg14: memref<!tpu.dma_semaphore, #tpu.memory_space<semaphore_mem>>, %arg15: memref<!tpu.dma_semaphore, #tpu.memory_space<semaphore_mem>>) attributes {dimension_semantics = [#tpu.dimension_semantics<core_parallel>, #tpu.dimension_semantics<subcore_parallel>], iteration_bounds = array<i64: 2, 16>, scalar_prefetch = 0 : i64, scratch_operands = 9 : i64, tpu.core_type = #tpu.core_type<sc_vector_subcore>, window_params = [{transform_indices = #map}, {transform_indices = #map}, {transform_indices = #map}, {transform_indices = #map}, {transform_indices = #map1}]} {
    %mul3A = arith.constant 16 : i32
    %mul3A_0 = arith.muli %arg0, %mul3A : i32
    %add3A = arith.addi %mul3A_0, %arg1 : i32
    %mul3A_1 = arith.constant 632 : i32
    %mul3A_2 = arith.muli %arg1, %mul3A_1 : i32
    %mul3A_3 = arith.constant 632 : i32
    %mul3A_4 = arith.muli %arg1, %mul3A_3 : i32
    "tpu.region"() ({
      %run_scoped3A = tpu.sem_alloc : memref<!tpu.dma_semaphore, #tpu.memory_space<semaphore_mem>>
      %dma_start3A_33 = arith.constant 0 : i32
      %dma_start3A_34 = tpu.memref_slice %arg11[%mul3A_4, %dma_start3A_33] : memref<10112x128xf32, #tpu.memory_space<vmem_shared>> -> memref<632x128xf32, #tpu.memory_space<vmem_shared>>
      %dma_start3A_35 = arith.constant 0 : i32
      %dma_start3A_36 = tpu.memref_slice %arg5[%mul3A_2, %dma_start3A_35] : memref<10112x128xf32, #tpu.memory_space<hbm>> -> memref<632x128xf32, #tpu.memory_space<hbm>>
      tpu.enqueue_dma source(%dma_start3A_36 : memref<632x128xf32, #tpu.memory_space<hbm>>) target(%dma_start3A_34 : memref<632x128xf32, #tpu.memory_space<vmem_shared>>) target_semaphore(%run_scoped3A : memref<!tpu.dma_semaphore, #tpu.memory_space<semaphore_mem>>)
      %dma_wait3A_37 = arith.constant 0 : i32
      %dma_wait3A_38 = tpu.memref_slice %arg11[%mul3A_4, %dma_wait3A_37] : memref<10112x128xf32, #tpu.memory_space<vmem_shared>> -> memref<632x128xf32, #tpu.memory_space<vmem_shared>>
      %dma_wait3A_39 = arith.constant 0 : i32
      %dma_wait3A_40 = tpu.memref_slice %arg5[%mul3A_2, %dma_wait3A_39] : memref<10112x128xf32, #tpu.memory_space<hbm>> -> memref<632x128xf32, #tpu.memory_space<hbm>>
      tpu.wait_dma2 semaphore(%run_scoped3A : memref<!tpu.dma_semaphore, #tpu.memory_space<semaphore_mem>>) src(%dma_wait3A_40 : memref<632x128xf32, #tpu.memory_space<hbm>>) dst(%dma_wait3A_38 : memref<632x128xf32, #tpu.memory_space<vmem_shared>>)
      tpu.yield
    }) : () -> ()
    "tpu.region"() ({
      %run_scoped3A = tpu.sem_alloc : memref<!tpu.dma_semaphore, #tpu.memory_space<semaphore_mem>>
      %dma_start3A_33 = arith.constant 0 : i32
      %dma_start3A_34 = tpu.memref_slice %arg3[%add3A, %dma_start3A_33] : memref<32x10080xi32, #tpu.memory_space<hbm>> -> memref<1x10080xi32, #tpu.memory_space<hbm>>
      %dma_start3A_35 = tpu.memref_squeeze %dma_start3A_34 : memref<1x10080xi32, #tpu.memory_space<hbm>> -> memref<10080xi32, #tpu.memory_space<hbm>>
      %dma_start3A_36 = arith.constant 0 : i32
      %dma_start3A_37 = tpu.memref_slice %arg3[%add3A, %dma_start3A_36] : memref<32x10080xi32, #tpu.memory_space<hbm>> -> memref<1x10080xi32, #tpu.memory_space<hbm>>
      %dma_start3A_38 = tpu.memref_squeeze %dma_start3A_37 : memref<1x10080xi32, #tpu.memory_space<hbm>> -> memref<10080xi32, #tpu.memory_space<hbm>>
      tpu.enqueue_dma source(%dma_start3A_38 : memref<10080xi32, #tpu.memory_space<hbm>>) target(%arg7 : memref<10080xi32, #tpu.memory_space<vmem>>) target_semaphore(%run_scoped3A : memref<!tpu.dma_semaphore, #tpu.memory_space<semaphore_mem>>)
      %dma_wait3A_39 = arith.constant 0 : i32
      %dma_wait3A_40 = tpu.memref_slice %arg3[%add3A, %dma_wait3A_39] : memref<32x10080xi32, #tpu.memory_space<hbm>> -> memref<1x10080xi32, #tpu.memory_space<hbm>>
      %dma_wait3A_41 = tpu.memref_squeeze %dma_wait3A_40 : memref<1x10080xi32, #tpu.memory_space<hbm>> -> memref<10080xi32, #tpu.memory_space<hbm>>
      %dma_wait3A_42 = arith.constant 0 : i32
      %dma_wait3A_43 = tpu.memref_slice %arg3[%add3A, %dma_wait3A_42] : memref<32x10080xi32, #tpu.memory_space<hbm>> -> memref<1x10080xi32, #tpu.memory_space<hbm>>
      %dma_wait3A_44 = tpu.memref_squeeze %dma_wait3A_43 : memref<1x10080xi32, #tpu.memory_space<hbm>> -> memref<10080xi32, #tpu.memory_space<hbm>>
      tpu.wait_dma2 semaphore(%run_scoped3A : memref<!tpu.dma_semaphore, #tpu.memory_space<semaphore_mem>>) src(%dma_wait3A_44 : memref<10080xi32, #tpu.memory_space<hbm>>) dst(%arg7 : memref<10080xi32, #tpu.memory_space<vmem>>)
      tpu.yield
    }) : () -> ()
    "tpu.region"() ({
      %run_scoped3A = tpu.sem_alloc : memref<!tpu.dma_semaphore, #tpu.memory_space<semaphore_mem>>
      %dma_start3A_33 = arith.constant 0 : i32
      %dma_start3A_34 = tpu.memref_slice %arg4[%add3A, %dma_start3A_33] : memref<32x10080xi32, #tpu.memory_space<hbm>> -> memref<1x10080xi32, #tpu.memory_space<hbm>>
      %dma_start3A_35 = tpu.memref_squeeze %dma_start3A_34 : memref<1x10080xi32, #tpu.memory_space<hbm>> -> memref<10080xi32, #tpu.memory_space<hbm>>
      %dma_start3A_36 = arith.constant 0 : i32
      %dma_start3A_37 = tpu.memref_slice %arg4[%add3A, %dma_start3A_36] : memref<32x10080xi32, #tpu.memory_space<hbm>> -> memref<1x10080xi32, #tpu.memory_space<hbm>>
      %dma_start3A_38 = tpu.memref_squeeze %dma_start3A_37 : memref<1x10080xi32, #tpu.memory_space<hbm>> -> memref<10080xi32, #tpu.memory_space<hbm>>
      tpu.enqueue_dma source(%dma_start3A_38 : memref<10080xi32, #tpu.memory_space<hbm>>) target(%arg8 : memref<10080xi32, #tpu.memory_space<vmem>>) target_semaphore(%run_scoped3A : memref<!tpu.dma_semaphore, #tpu.memory_space<semaphore_mem>>)
      %dma_wait3A_39 = arith.constant 0 : i32
      %dma_wait3A_40 = tpu.memref_slice %arg4[%add3A, %dma_wait3A_39] : memref<32x10080xi32, #tpu.memory_space<hbm>> -> memref<1x10080xi32, #tpu.memory_space<hbm>>
      %dma_wait3A_41 = tpu.memref_squeeze %dma_wait3A_40 : memref<1x10080xi32, #tpu.memory_space<hbm>> -> memref<10080xi32, #tpu.memory_space<hbm>>
      %dma_wait3A_42 = arith.constant 0 : i32
      %dma_wait3A_43 = tpu.memref_slice %arg4[%add3A, %dma_wait3A_42] : memref<32x10080xi32, #tpu.memory_space<hbm>> -> memref<1x10080xi32, #tpu.memory_space<hbm>>
      %dma_wait3A_44 = tpu.memref_squeeze %dma_wait3A_43 : memref<1x10080xi32, #tpu.memory_space<hbm>> -> memref<10080xi32, #tpu.memory_space<hbm>>
      tpu.wait_dma2 semaphore(%run_scoped3A : memref<!tpu.dma_semaphore, #tpu.memory_space<semaphore_mem>>) src(%dma_wait3A_44 : memref<10080xi32, #tpu.memory_space<hbm>>) dst(%arg8 : memref<10080xi32, #tpu.memory_space<vmem>>)
      tpu.yield
    }) : () -> ()
    %barrier3A = arith.constant 0 : index
    tpu.barrier barrier_id(%barrier3A)
    %dma_start3A = arith.constant 0 : i32
    %dma_start3A_5 = tpu.memref_slice %arg7[%dma_start3A] : memref<10080xi32, #tpu.memory_space<vmem>> -> memref<112xi32, #tpu.memory_space<vmem>>
    %dma_start3A_6 = arith.constant 0 : i32
    %dma_start3A_7 = arith.constant 0 : i32
    %dma_start3A_8 = tpu.memref_slice %arg2[%dma_start3A_6, %dma_start3A_7] : memref<10000x128xf32, #tpu.memory_space<hbm>> -> memref<10000x128xf32, #tpu.memory_space<hbm>>
    tpu.enqueue_indirect_dma source(%dma_start3A_8 : memref<10000x128xf32, #tpu.memory_space<hbm>>) target(%arg9 : memref<112x128xf32, #tpu.memory_space<vmem>>) offsets(%dma_start3A_5 : memref<112xi32, #tpu.memory_space<vmem>>) semaphore(%arg12 : memref<!tpu.dma_semaphore, #tpu.memory_space<semaphore_mem>>)
    %dma_start3A_9 = arith.constant 112 : i32
    %dma_start3A_10 = tpu.memref_slice %arg7[%dma_start3A_9] : memref<10080xi32, #tpu.memory_space<vmem>> -> memref<112xi32, #tpu.memory_space<vmem>>
    %dma_start3A_11 = arith.constant 0 : i32
    %dma_start3A_12 = arith.constant 0 : i32
    %dma_start3A_13 = tpu.memref_slice %arg2[%dma_start3A_11, %dma_start3A_12] : memref<10000x128xf32, #tpu.memory_space<hbm>> -> memref<10000x128xf32, #tpu.memory_space<hbm>>
    tpu.enqueue_indirect_dma source(%dma_start3A_13 : memref<10000x128xf32, #tpu.memory_space<hbm>>) target(%arg10 : memref<112x128xf32, #tpu.memory_space<vmem>>) offsets(%dma_start3A_10 : memref<112xi32, #tpu.memory_space<vmem>>) semaphore(%arg13 : memref<!tpu.dma_semaphore, #tpu.memory_space<semaphore_mem>>)
    %scan3A = arith.constant 0 : i32
    %scan3A_14 = arith.constant 0 : i32
    %scan3A_15 = arith.constant 45 : i32
    %scan3A_16 = arith.addi %scan3A_14, %scan3A_15 : i32
    %scan3A_17 = arith.constant 1 : i32
    scf.for %scan3A_33 = %scan3A_14 to %scan3A_16 step %scan3A_17  : i32 {
      %mul3A_34 = arith.constant 2 : i32
      %mul3A_35 = arith.muli %mul3A_34, %scan3A_33 : i32
      %add3A_36 = arith.constant 0 : i32
      %add3A_37 = arith.addi %mul3A_35, %add3A_36 : i32
      %mul3A_38 = arith.constant 112 : i32
      %mul3A_39 = arith.muli %add3A_37, %mul3A_38 : i32
      %dma_wait3A_40 = tpu.memref_slice %arg7[%mul3A_39] : memref<10080xi32, #tpu.memory_space<vmem>> -> memref<112xi32, #tpu.memory_space<vmem>>
      %dma_wait3A_41 = arith.constant 0 : i32
      %dma_wait3A_42 = arith.constant 0 : i32
      %dma_wait3A_43 = tpu.memref_slice %arg2[%dma_wait3A_41, %dma_wait3A_42] : memref<10000x128xf32, #tpu.memory_space<hbm>> -> memref<10000x128xf32, #tpu.memory_space<hbm>>
      tpu.wait_indirect_dma semaphore(%arg12 : memref<!tpu.dma_semaphore, #tpu.memory_space<semaphore_mem>>) src(%dma_wait3A_43 : memref<10000x128xf32, #tpu.memory_space<hbm>>) dst(%arg9 : memref<112x128xf32, #tpu.memory_space<vmem>>)
      %mul3A_44 = arith.constant 112 : i32
      %mul3A_45 = arith.muli %add3A_37, %mul3A_44 : i32
      %dma_start3A_46 = tpu.memref_slice %arg8[%mul3A_45] : memref<10080xi32, #tpu.memory_space<vmem>> -> memref<112xi32, #tpu.memory_space<vmem>>
      %dma_start3A_47 = arith.constant 0 : i32
      %dma_start3A_48 = arith.constant 0 : i32
      %dma_start3A_49 = tpu.memref_slice %arg11[%dma_start3A_47, %dma_start3A_48] : memref<10112x128xf32, #tpu.memory_space<vmem_shared>> -> memref<10112x128xf32, #tpu.memory_space<vmem_shared>>
      tpu.enqueue_indirect_dma source(%arg9 : memref<112x128xf32, #tpu.memory_space<vmem>>) target(%dma_start3A_49 : memref<10112x128xf32, #tpu.memory_space<vmem_shared>>) offsets(%dma_start3A_46 : memref<112xi32, #tpu.memory_space<vmem>>) semaphore(%arg14 : memref<!tpu.dma_semaphore, #tpu.memory_space<semaphore_mem>>) {add = true}
      %add3A_50 = arith.constant 1 : i32
      %add3A_51 = arith.addi %add3A_37, %add3A_50 : i32
      %ge3A = arith.constant 2 : i32
      %ge3A_52 = arith.cmpi sge, %add3A_51, %ge3A : i32
      %lt3A = arith.constant 90 : i32
      %lt3A_53 = arith.cmpi slt, %add3A_51, %lt3A : i32
      %and3A = arith.andi %ge3A_52, %lt3A_53 : i1
      %convert_element_type3A = arith.extui %and3A : i1 to i32
      %cond3A = arith.constant 0 : i32
      %cond3A_54 = arith.cmpi ne, %convert_element_type3A, %cond3A : i32
      scf.if %cond3A_54 {
        %dma_wait3A_79 = arith.constant 0 : i32
        %dma_wait3A_80 = tpu.memref_slice %arg8[%dma_wait3A_79] : memref<10080xi32, #tpu.memory_space<vmem>> -> memref<112xi32, #tpu.memory_space<vmem>>
        %dma_wait3A_81 = arith.constant 0 : i32
        %dma_wait3A_82 = arith.constant 0 : i32
        %dma_wait3A_83 = tpu.memref_slice %arg11[%dma_wait3A_81, %dma_wait3A_82] : memref<10112x128xf32, #tpu.memory_space<vmem_shared>> -> memref<10112x128xf32, #tpu.memory_space<vmem_shared>>
        tpu.wait_indirect_dma semaphore(%arg15 : memref<!tpu.dma_semaphore, #tpu.memory_space<semaphore_mem>>) src(%arg10 : memref<112x128xf32, #tpu.memory_space<vmem>>) dst(%dma_wait3A_83 : memref<10112x128xf32, #tpu.memory_space<vmem_shared>>)
        %mul3A_84 = arith.constant 112 : i32
        %mul3A_85 = arith.muli %add3A_51, %mul3A_84 : i32
        %dma_start3A_86 = tpu.memref_slice %arg7[%mul3A_85] : memref<10080xi32, #tpu.memory_space<vmem>> -> memref<112xi32, #tpu.memory_space<vmem>>
        %dma_start3A_87 = arith.constant 0 : i32
        %dma_start3A_88 = arith.constant 0 : i32
        %dma_start3A_89 = tpu.memref_slice %arg2[%dma_start3A_87, %dma_start3A_88] : memref<10000x128xf32, #tpu.memory_space<hbm>> -> memref<10000x128xf32, #tpu.memory_space<hbm>>
        tpu.enqueue_indirect_dma source(%dma_start3A_89 : memref<10000x128xf32, #tpu.memory_space<hbm>>) target(%arg10 : memref<112x128xf32, #tpu.memory_space<vmem>>) offsets(%dma_start3A_86 : memref<112xi32, #tpu.memory_space<vmem>>) semaphore(%arg13 : memref<!tpu.dma_semaphore, #tpu.memory_space<semaphore_mem>>)
      } else {
      }
      %add3A_55 = arith.constant 1 : i32
      %add3A_56 = arith.addi %mul3A_35, %add3A_55 : i32
      %mul3A_57 = arith.constant 112 : i32
      %mul3A_58 = arith.muli %add3A_56, %mul3A_57 : i32
      %dma_wait3A_59 = tpu.memref_slice %arg7[%mul3A_58] : memref<10080xi32, #tpu.memory_space<vmem>> -> memref<112xi32, #tpu.memory_space<vmem>>
      %dma_wait3A_60 = arith.constant 0 : i32
      %dma_wait3A_61 = arith.constant 0 : i32
      %dma_wait3A_62 = tpu.memref_slice %arg2[%dma_wait3A_60, %dma_wait3A_61] : memref<10000x128xf32, #tpu.memory_space<hbm>> -> memref<10000x128xf32, #tpu.memory_space<hbm>>
      tpu.wait_indirect_dma semaphore(%arg13 : memref<!tpu.dma_semaphore, #tpu.memory_space<semaphore_mem>>) src(%dma_wait3A_62 : memref<10000x128xf32, #tpu.memory_space<hbm>>) dst(%arg10 : memref<112x128xf32, #tpu.memory_space<vmem>>)
      %mul3A_63 = arith.constant 112 : i32
      %mul3A_64 = arith.muli %add3A_56, %mul3A_63 : i32
      %dma_start3A_65 = tpu.memref_slice %arg8[%mul3A_64] : memref<10080xi32, #tpu.memory_space<vmem>> -> memref<112xi32, #tpu.memory_space<vmem>>
      %dma_start3A_66 = arith.constant 0 : i32
      %dma_start3A_67 = arith.constant 0 : i32
      %dma_start3A_68 = tpu.memref_slice %arg11[%dma_start3A_66, %dma_start3A_67] : memref<10112x128xf32, #tpu.memory_space<vmem_shared>> -> memref<10112x128xf32, #tpu.memory_space<vmem_shared>>
      tpu.enqueue_indirect_dma source(%arg10 : memref<112x128xf32, #tpu.memory_space<vmem>>) target(%dma_start3A_68 : memref<10112x128xf32, #tpu.memory_space<vmem_shared>>) offsets(%dma_start3A_65 : memref<112xi32, #tpu.memory_space<vmem>>) semaphore(%arg15 : memref<!tpu.dma_semaphore, #tpu.memory_space<semaphore_mem>>) {add = true}
      %add3A_69 = arith.constant 1 : i32
      %add3A_70 = arith.addi %add3A_56, %add3A_69 : i32
      %ge3A_71 = arith.constant 2 : i32
      %ge3A_72 = arith.cmpi sge, %add3A_70, %ge3A_71 : i32
      %lt3A_73 = arith.constant 90 : i32
      %lt3A_74 = arith.cmpi slt, %add3A_70, %lt3A_73 : i32
      %and3A_75 = arith.andi %ge3A_72, %lt3A_74 : i1
      %convert_element_type3A_76 = arith.extui %and3A_75 : i1 to i32
      %cond3A_77 = arith.constant 0 : i32
      %cond3A_78 = arith.cmpi ne, %convert_element_type3A_76, %cond3A_77 : i32
      scf.if %cond3A_78 {
        %dma_wait3A_79 = arith.constant 0 : i32
        %dma_wait3A_80 = tpu.memref_slice %arg8[%dma_wait3A_79] : memref<10080xi32, #tpu.memory_space<vmem>> -> memref<112xi32, #tpu.memory_space<vmem>>
        %dma_wait3A_81 = arith.constant 0 : i32
        %dma_wait3A_82 = arith.constant 0 : i32
        %dma_wait3A_83 = tpu.memref_slice %arg11[%dma_wait3A_81, %dma_wait3A_82] : memref<10112x128xf32, #tpu.memory_space<vmem_shared>> -> memref<10112x128xf32, #tpu.memory_space<vmem_shared>>
        tpu.wait_indirect_dma semaphore(%arg14 : memref<!tpu.dma_semaphore, #tpu.memory_space<semaphore_mem>>) src(%arg9 : memref<112x128xf32, #tpu.memory_space<vmem>>) dst(%dma_wait3A_83 : memref<10112x128xf32, #tpu.memory_space<vmem_shared>>)
        %mul3A_84 = arith.constant 112 : i32
        %mul3A_85 = arith.muli %add3A_70, %mul3A_84 : i32
        %dma_start3A_86 = tpu.memref_slice %arg7[%mul3A_85] : memref<10080xi32, #tpu.memory_space<vmem>> -> memref<112xi32, #tpu.memory_space<vmem>>
        %dma_start3A_87 = arith.constant 0 : i32
        %dma_start3A_88 = arith.constant 0 : i32
        %dma_start3A_89 = tpu.memref_slice %arg2[%dma_start3A_87, %dma_start3A_88] : memref<10000x128xf32, #tpu.memory_space<hbm>> -> memref<10000x128xf32, #tpu.memory_space<hbm>>
        tpu.enqueue_indirect_dma source(%dma_start3A_89 : memref<10000x128xf32, #tpu.memory_space<hbm>>) target(%arg9 : memref<112x128xf32, #tpu.memory_space<vmem>>) offsets(%dma_start3A_86 : memref<112xi32, #tpu.memory_space<vmem>>) semaphore(%arg12 : memref<!tpu.dma_semaphore, #tpu.memory_space<semaphore_mem>>)
      } else {
      }
    }
    %scan3A_18 = arith.constant 45 : i32
    %dma_wait3A = arith.constant 0 : i32
    %dma_wait3A_19 = tpu.memref_slice %arg8[%dma_wait3A] : memref<10080xi32, #tpu.memory_space<vmem>> -> memref<112xi32, #tpu.memory_space<vmem>>
    %dma_wait3A_20 = arith.constant 0 : i32
    %dma_wait3A_21 = arith.constant 0 : i32
    %dma_wait3A_22 = tpu.memref_slice %arg11[%dma_wait3A_20, %dma_wait3A_21] : memref<10112x128xf32, #tpu.memory_space<vmem_shared>> -> memref<10112x128xf32, #tpu.memory_space<vmem_shared>>
    tpu.wait_indirect_dma semaphore(%arg14 : memref<!tpu.dma_semaphore, #tpu.memory_space<semaphore_mem>>) src(%arg9 : memref<112x128xf32, #tpu.memory_space<vmem>>) dst(%dma_wait3A_22 : memref<10112x128xf32, #tpu.memory_space<vmem_shared>>)
    %dma_wait3A_23 = arith.constant 0 : i32
    %dma_wait3A_24 = tpu.memref_slice %arg8[%dma_wait3A_23] : memref<10080xi32, #tpu.memory_space<vmem>> -> memref<112xi32, #tpu.memory_space<vmem>>
    %dma_wait3A_25 = arith.constant 0 : i32
    %dma_wait3A_26 = arith.constant 0 : i32
    %dma_wait3A_27 = tpu.memref_slice %arg11[%dma_wait3A_25, %dma_wait3A_26] : memref<10112x128xf32, #tpu.memory_space<vmem_shared>> -> memref<10112x128xf32, #tpu.memory_space<vmem_shared>>
    tpu.wait_indirect_dma semaphore(%arg15 : memref<!tpu.dma_semaphore, #tpu.memory_space<semaphore_mem>>) src(%arg10 : memref<112x128xf32, #tpu.memory_space<vmem>>) dst(%dma_wait3A_27 : memref<10112x128xf32, #tpu.memory_space<vmem_shared>>)
    %barrier3A_28 = arith.constant 0 : index
    tpu.barrier barrier_id(%barrier3A_28)
    %mul3A_29 = arith.constant 632 : i32
    %mul3A_30 = arith.muli %arg1, %mul3A_29 : i32
    %mul3A_31 = arith.constant 632 : i32
    %mul3A_32 = arith.muli %arg1, %mul3A_31 : i32
    "tpu.region"() ({
      %run_scoped3A = tpu.sem_alloc : memref<!tpu.dma_semaphore, #tpu.memory_space<semaphore_mem>>
      %dma_start3A_33 = arith.constant 0 : i32
      %dma_start3A_34 = arith.constant 0 : i32
      %dma_start3A_35 = tpu.memref_slice %arg6[%arg0, %dma_start3A_33, %dma_start3A_34] : memref<2x10112x128xf32, #tpu.memory_space<hbm>> -> memref<1x10112x128xf32, #tpu.memory_space<hbm>>
      %dma_start3A_36 = tpu.memref_squeeze %dma_start3A_35 : memref<1x10112x128xf32, #tpu.memory_space<hbm>> -> memref<10112x128xf32, #tpu.memory_space<hbm>>
      %dma_start3A_37 = arith.constant 0 : i32
      %dma_start3A_38 = tpu.memref_slice %dma_start3A_36[%mul3A_32, %dma_start3A_37] : memref<10112x128xf32, #tpu.memory_space<hbm>> -> memref<632x128xf32, #tpu.memory_space<hbm>>
      %dma_start3A_39 = arith.constant 0 : i32
      %dma_start3A_40 = tpu.memref_slice %arg11[%mul3A_30, %dma_start3A_39] : memref<10112x128xf32, #tpu.memory_space<vmem_shared>> -> memref<632x128xf32, #tpu.memory_space<vmem_shared>>
      tpu.enqueue_dma source(%dma_start3A_40 : memref<632x128xf32, #tpu.memory_space<vmem_shared>>) target(%dma_start3A_38 : memref<632x128xf32, #tpu.memory_space<hbm>>) target_semaphore(%run_scoped3A : memref<!tpu.dma_semaphore, #tpu.memory_space<semaphore_mem>>)
      %dma_wait3A_41 = arith.constant 0 : i32
      %dma_wait3A_42 = arith.constant 0 : i32
      %dma_wait3A_43 = tpu.memref_slice %arg6[%arg0, %dma_wait3A_41, %dma_wait3A_42] : memref<2x10112x128xf32, #tpu.memory_space<hbm>> -> memref<1x10112x128xf32, #tpu.memory_space<hbm>>
      %dma_wait3A_44 = tpu.memref_squeeze %dma_wait3A_43 : memref<1x10112x128xf32, #tpu.memory_space<hbm>> -> memref<10112x128xf32, #tpu.memory_space<hbm>>
      %dma_wait3A_45 = arith.constant 0 : i32
      %dma_wait3A_46 = tpu.memref_slice %dma_wait3A_44[%mul3A_32, %dma_wait3A_45] : memref<10112x128xf32, #tpu.memory_space<hbm>> -> memref<632x128xf32, #tpu.memory_space<hbm>>
      %dma_wait3A_47 = arith.constant 0 : i32
      %dma_wait3A_48 = tpu.memref_slice %arg11[%mul3A_30, %dma_wait3A_47] : memref<10112x128xf32, #tpu.memory_space<vmem_shared>> -> memref<632x128xf32, #tpu.memory_space<vmem_shared>>
      tpu.wait_dma2 semaphore(%run_scoped3A : memref<!tpu.dma_semaphore, #tpu.memory_space<semaphore_mem>>) src(%dma_wait3A_48 : memref<632x128xf32, #tpu.memory_space<vmem_shared>>) dst(%dma_wait3A_46 : memref<632x128xf32, #tpu.memory_space<hbm>>)
      tpu.yield
    }) : () -> ()
    return
  }
}

#map = affine_map<(d0, d1) -> (0, 0)>
#map1 = affine_map<(d0, d1) -> (0, 0, 0)>
module attributes {stable_mosaic.version = 14 : i64} {
  func.func @_agg_body(%arg0: i32, %arg1: i32, %arg2: memref<10000x128xf32, #tpu.memory_space<hbm>>, %arg3: memref<32x10080xi32, #tpu.memory_space<hbm>>, %arg4: memref<32x10080xi32, #tpu.memory_space<hbm>>, %arg5: memref<10112x128xf32, #tpu.memory_space<hbm>>, %arg6: memref<2x10112x128xf32, #tpu.memory_space<hbm>>, %arg7: memref<10080xi32, #tpu.memory_space<vmem>>, %arg8: memref<10080xi32, #tpu.memory_space<vmem>>, %arg9: memref<112x128xf32, #tpu.memory_space<vmem>>, %arg10: memref<112x128xf32, #tpu.memory_space<vmem>>, %arg11: memref<10112x128xf32, #tpu.memory_space<vmem_shared>>, %arg12: memref<!tpu.dma_semaphore, #tpu.memory_space<semaphore_mem>>, %arg13: memref<!tpu.dma_semaphore, #tpu.memory_space<semaphore_mem>>, %arg14: memref<!tpu.dma_semaphore, #tpu.memory_space<semaphore_mem>>, %arg15: memref<!tpu.dma_semaphore, #tpu.memory_space<semaphore_mem>>) attributes {dimension_semantics = [#tpu.dimension_semantics<core_parallel>, #tpu.dimension_semantics<subcore_parallel>], iteration_bounds = array<i64: 2, 16>, scalar_prefetch = 0 : i64, scratch_operands = 9 : i64, tpu.core_type = #tpu.core_type<sc_vector_subcore>, window_params = [{transform_indices = #map}, {transform_indices = #map}, {transform_indices = #map}, {transform_indices = #map}, {transform_indices = #map1}]} {
    %mul3A = arith.constant 16 : i32
    %mul3A_0 = arith.muli %arg0, %mul3A : i32
    %add3A = arith.addi %mul3A_0, %arg1 : i32
    %mul3A_1 = arith.constant 632 : i32
    %mul3A_2 = arith.muli %arg1, %mul3A_1 : i32
    %mul3A_3 = arith.constant 632 : i32
    %mul3A_4 = arith.muli %arg1, %mul3A_3 : i32
    "tpu.region"() ({
      %run_scoped3A = tpu.sem_alloc : memref<!tpu.dma_semaphore, #tpu.memory_space<semaphore_mem>>
      %dma_start3A_33 = arith.constant 0 : i32
      %dma_start3A_34 = tpu.memref_slice %arg11[%mul3A_4, %dma_start3A_33] : memref<10112x128xf32, #tpu.memory_space<vmem_shared>> -> memref<632x128xf32, #tpu.memory_space<vmem_shared>>
      %dma_start3A_35 = arith.constant 0 : i32
      %dma_start3A_36 = tpu.memref_slice %arg5[%mul3A_2, %dma_start3A_35] : memref<10112x128xf32, #tpu.memory_space<hbm>> -> memref<632x128xf32, #tpu.memory_space<hbm>>
      tpu.enqueue_dma source(%dma_start3A_36 : memref<632x128xf32, #tpu.memory_space<hbm>>) target(%dma_start3A_34 : memref<632x128xf32, #tpu.memory_space<vmem_shared>>) target_semaphore(%run_scoped3A : memref<!tpu.dma_semaphore, #tpu.memory_space<semaphore_mem>>)
      %dma_wait3A_37 = arith.constant 0 : i32
      %dma_wait3A_38 = tpu.memref_slice %arg11[%mul3A_4, %dma_wait3A_37] : memref<10112x128xf32, #tpu.memory_space<vmem_shared>> -> memref<632x128xf32, #tpu.memory_space<vmem_shared>>
      %dma_wait3A_39 = arith.constant 0 : i32
      %dma_wait3A_40 = tpu.memref_slice %arg5[%mul3A_2, %dma_wait3A_39] : memref<10112x128xf32, #tpu.memory_space<hbm>> -> memref<632x128xf32, #tpu.memory_space<hbm>>
      tpu.wait_dma2 semaphore(%run_scoped3A : memref<!tpu.dma_semaphore, #tpu.memory_space<semaphore_mem>>) src(%dma_wait3A_40 : memref<632x128xf32, #tpu.memory_space<hbm>>) dst(%dma_wait3A_38 : memref<632x128xf32, #tpu.memory_space<vmem_shared>>)
      tpu.yield
    }) : () -> ()
    "tpu.region"() ({
      %run_scoped3A = tpu.sem_alloc : memref<!tpu.dma_semaphore, #tpu.memory_space<semaphore_mem>>
      %dma_start3A_33 = arith.constant 0 : i32
      %dma_start3A_34 = tpu.memref_slice %arg3[%add3A, %dma_start3A_33] : memref<32x10080xi32, #tpu.memory_space<hbm>> -> memref<1x10080xi32, #tpu.memory_space<hbm>>
      %dma_start3A_35 = tpu.memref_squeeze %dma_start3A_34 : memref<1x10080xi32, #tpu.memory_space<hbm>> -> memref<10080xi32, #tpu.memory_space<hbm>>
      %dma_start3A_36 = arith.constant 0 : i32
      %dma_start3A_37 = tpu.memref_slice %arg3[%add3A, %dma_start3A_36] : memref<32x10080xi32, #tpu.memory_space<hbm>> -> memref<1x10080xi32, #tpu.memory_space<hbm>>
      %dma_start3A_38 = tpu.memref_squeeze %dma_start3A_37 : memref<1x10080xi32, #tpu.memory_space<hbm>> -> memref<10080xi32, #tpu.memory_space<hbm>>
      tpu.enqueue_dma source(%dma_start3A_38 : memref<10080xi32, #tpu.memory_space<hbm>>) target(%arg7 : memref<10080xi32, #tpu.memory_space<vmem>>) target_semaphore(%run_scoped3A : memref<!tpu.dma_semaphore, #tpu.memory_space<semaphore_mem>>)
      %dma_wait3A_39 = arith.constant 0 : i32
      %dma_wait3A_40 = tpu.memref_slice %arg3[%add3A, %dma_wait3A_39] : memref<32x10080xi32, #tpu.memory_space<hbm>> -> memref<1x10080xi32, #tpu.memory_space<hbm>>
      %dma_wait3A_41 = tpu.memref_squeeze %dma_wait3A_40 : memref<1x10080xi32, #tpu.memory_space<hbm>> -> memref<10080xi32, #tpu.memory_space<hbm>>
      %dma_wait3A_42 = arith.constant 0 : i32
      %dma_wait3A_43 = tpu.memref_slice %arg3[%add3A, %dma_wait3A_42] : memref<32x10080xi32, #tpu.memory_space<hbm>> -> memref<1x10080xi32, #tpu.memory_space<hbm>>
      %dma_wait3A_44 = tpu.memref_squeeze %dma_wait3A_43 : memref<1x10080xi32, #tpu.memory_space<hbm>> -> memref<10080xi32, #tpu.memory_space<hbm>>
      tpu.wait_dma2 semaphore(%run_scoped3A : memref<!tpu.dma_semaphore, #tpu.memory_space<semaphore_mem>>) src(%dma_wait3A_44 : memref<10080xi32, #tpu.memory_space<hbm>>) dst(%arg7 : memref<10080xi32, #tpu.memory_space<vmem>>)
      tpu.yield
    }) : () -> ()
    "tpu.region"() ({
      %run_scoped3A = tpu.sem_alloc : memref<!tpu.dma_semaphore, #tpu.memory_space<semaphore_mem>>
      %dma_start3A_33 = arith.constant 0 : i32
      %dma_start3A_34 = tpu.memref_slice %arg4[%add3A, %dma_start3A_33] : memref<32x10080xi32, #tpu.memory_space<hbm>> -> memref<1x10080xi32, #tpu.memory_space<hbm>>
      %dma_start3A_35 = tpu.memref_squeeze %dma_start3A_34 : memref<1x10080xi32, #tpu.memory_space<hbm>> -> memref<10080xi32, #tpu.memory_space<hbm>>
      %dma_start3A_36 = arith.constant 0 : i32
      %dma_start3A_37 = tpu.memref_slice %arg4[%add3A, %dma_start3A_36] : memref<32x10080xi32, #tpu.memory_space<hbm>> -> memref<1x10080xi32, #tpu.memory_space<hbm>>
      %dma_start3A_38 = tpu.memref_squeeze %dma_start3A_37 : memref<1x10080xi32, #tpu.memory_space<hbm>> -> memref<10080xi32, #tpu.memory_space<hbm>>
      tpu.enqueue_dma source(%dma_start3A_38 : memref<10080xi32, #tpu.memory_space<hbm>>) target(%arg8 : memref<10080xi32, #tpu.memory_space<vmem>>) target_semaphore(%run_scoped3A : memref<!tpu.dma_semaphore, #tpu.memory_space<semaphore_mem>>)
      %dma_wait3A_39 = arith.constant 0 : i32
      %dma_wait3A_40 = tpu.memref_slice %arg4[%add3A, %dma_wait3A_39] : memref<32x10080xi32, #tpu.memory_space<hbm>> -> memref<1x10080xi32, #tpu.memory_space<hbm>>
      %dma_wait3A_41 = tpu.memref_squeeze %dma_wait3A_40 : memref<1x10080xi32, #tpu.memory_space<hbm>> -> memref<10080xi32, #tpu.memory_space<hbm>>
      %dma_wait3A_42 = arith.constant 0 : i32
      %dma_wait3A_43 = tpu.memref_slice %arg4[%add3A, %dma_wait3A_42] : memref<32x10080xi32, #tpu.memory_space<hbm>> -> memref<1x10080xi32, #tpu.memory_space<hbm>>
      %dma_wait3A_44 = tpu.memref_squeeze %dma_wait3A_43 : memref<1x10080xi32, #tpu.memory_space<hbm>> -> memref<10080xi32, #tpu.memory_space<hbm>>
      tpu.wait_dma2 semaphore(%run_scoped3A : memref<!tpu.dma_semaphore, #tpu.memory_space<semaphore_mem>>) src(%dma_wait3A_44 : memref<10080xi32, #tpu.memory_space<hbm>>) dst(%arg8 : memref<10080xi32, #tpu.memory_space<vmem>>)
      tpu.yield
    }) : () -> ()
    %barrier3A = arith.constant 0 : index
    tpu.barrier barrier_id(%barrier3A)
    %dma_start3A = arith.constant 0 : i32
    %dma_start3A_5 = tpu.memref_slice %arg7[%dma_start3A] : memref<10080xi32, #tpu.memory_space<vmem>> -> memref<112xi32, #tpu.memory_space<vmem>>
    %dma_start3A_6 = arith.constant 0 : i32
    %dma_start3A_7 = arith.constant 0 : i32
    %dma_start3A_8 = tpu.memref_slice %arg2[%dma_start3A_6, %dma_start3A_7] : memref<10000x128xf32, #tpu.memory_space<hbm>> -> memref<10000x128xf32, #tpu.memory_space<hbm>>
    tpu.enqueue_indirect_dma source(%dma_start3A_8 : memref<10000x128xf32, #tpu.memory_space<hbm>>) target(%arg9 : memref<112x128xf32, #tpu.memory_space<vmem>>) offsets(%dma_start3A_5 : memref<112xi32, #tpu.memory_space<vmem>>) semaphore(%arg12 : memref<!tpu.dma_semaphore, #tpu.memory_space<semaphore_mem>>)
    %dma_start3A_9 = arith.constant 112 : i32
    %dma_start3A_10 = tpu.memref_slice %arg7[%dma_start3A_9] : memref<10080xi32, #tpu.memory_space<vmem>> -> memref<112xi32, #tpu.memory_space<vmem>>
    %dma_start3A_11 = arith.constant 0 : i32
    %dma_start3A_12 = arith.constant 0 : i32
    %dma_start3A_13 = tpu.memref_slice %arg2[%dma_start3A_11, %dma_start3A_12] : memref<10000x128xf32, #tpu.memory_space<hbm>> -> memref<10000x128xf32, #tpu.memory_space<hbm>>
    tpu.enqueue_indirect_dma source(%dma_start3A_13 : memref<10000x128xf32, #tpu.memory_space<hbm>>) target(%arg10 : memref<112x128xf32, #tpu.memory_space<vmem>>) offsets(%dma_start3A_10 : memref<112xi32, #tpu.memory_space<vmem>>) semaphore(%arg13 : memref<!tpu.dma_semaphore, #tpu.memory_space<semaphore_mem>>)
    %scan3A = arith.constant 0 : i32
    %scan3A_14 = arith.constant 0 : i32
    %scan3A_15 = arith.constant 45 : i32
    %scan3A_16 = arith.addi %scan3A_14, %scan3A_15 : i32
    %scan3A_17 = arith.constant 1 : i32
    scf.for %scan3A_33 = %scan3A_14 to %scan3A_16 step %scan3A_17  : i32 {
      %mul3A_34 = arith.constant 2 : i32
      %mul3A_35 = arith.muli %mul3A_34, %scan3A_33 : i32
      %add3A_36 = arith.constant 0 : i32
      %add3A_37 = arith.addi %mul3A_35, %add3A_36 : i32
      %mul3A_38 = arith.constant 112 : i32
      %mul3A_39 = arith.muli %add3A_37, %mul3A_38 : i32
      %dma_wait3A_40 = tpu.memref_slice %arg7[%mul3A_39] : memref<10080xi32, #tpu.memory_space<vmem>> -> memref<112xi32, #tpu.memory_space<vmem>>
      %dma_wait3A_41 = arith.constant 0 : i32
      %dma_wait3A_42 = arith.constant 0 : i32
      %dma_wait3A_43 = tpu.memref_slice %arg2[%dma_wait3A_41, %dma_wait3A_42] : memref<10000x128xf32, #tpu.memory_space<hbm>> -> memref<10000x128xf32, #tpu.memory_space<hbm>>
      tpu.wait_indirect_dma semaphore(%arg12 : memref<!tpu.dma_semaphore, #tpu.memory_space<semaphore_mem>>) src(%dma_wait3A_43 : memref<10000x128xf32, #tpu.memory_space<hbm>>) dst(%arg9 : memref<112x128xf32, #tpu.memory_space<vmem>>)
      %mul3A_44 = arith.constant 112 : i32
      %mul3A_45 = arith.muli %add3A_37, %mul3A_44 : i32
      %dma_start3A_46 = tpu.memref_slice %arg8[%mul3A_45] : memref<10080xi32, #tpu.memory_space<vmem>> -> memref<112xi32, #tpu.memory_space<vmem>>
      %dma_start3A_47 = arith.constant 0 : i32
      %dma_start3A_48 = arith.constant 0 : i32
      %dma_start3A_49 = tpu.memref_slice %arg11[%dma_start3A_47, %dma_start3A_48] : memref<10112x128xf32, #tpu.memory_space<vmem_shared>> -> memref<10112x128xf32, #tpu.memory_space<vmem_shared>>
      tpu.enqueue_indirect_dma source(%arg9 : memref<112x128xf32, #tpu.memory_space<vmem>>) target(%dma_start3A_49 : memref<10112x128xf32, #tpu.memory_space<vmem_shared>>) offsets(%dma_start3A_46 : memref<112xi32, #tpu.memory_space<vmem>>) semaphore(%arg14 : memref<!tpu.dma_semaphore, #tpu.memory_space<semaphore_mem>>) {add = true}
      %add3A_50 = arith.constant 1 : i32
      %add3A_51 = arith.addi %add3A_37, %add3A_50 : i32
      %ge3A = arith.constant 2 : i32
      %ge3A_52 = arith.cmpi sge, %add3A_51, %ge3A : i32
      %lt3A = arith.constant 90 : i32
      %lt3A_53 = arith.cmpi slt, %add3A_51, %lt3A : i32
      %and3A = arith.andi %ge3A_52, %lt3A_53 : i1
      %convert_element_type3A = arith.extui %and3A : i1 to i32
      %cond3A = arith.constant 0 : i32
      %cond3A_54 = arith.cmpi ne, %convert_element_type3A, %cond3A : i32
      scf.if %cond3A_54 {
        %dma_wait3A_79 = arith.constant 0 : i32
        %dma_wait3A_80 = tpu.memref_slice %arg8[%dma_wait3A_79] : memref<10080xi32, #tpu.memory_space<vmem>> -> memref<112xi32, #tpu.memory_space<vmem>>
        %dma_wait3A_81 = arith.constant 0 : i32
        %dma_wait3A_82 = arith.constant 0 : i32
        %dma_wait3A_83 = tpu.memref_slice %arg11[%dma_wait3A_81, %dma_wait3A_82] : memref<10112x128xf32, #tpu.memory_space<vmem_shared>> -> memref<10112x128xf32, #tpu.memory_space<vmem_shared>>
        tpu.wait_indirect_dma semaphore(%arg15 : memref<!tpu.dma_semaphore, #tpu.memory_space<semaphore_mem>>) src(%arg10 : memref<112x128xf32, #tpu.memory_space<vmem>>) dst(%dma_wait3A_83 : memref<10112x128xf32, #tpu.memory_space<vmem_shared>>)
        %mul3A_84 = arith.constant 112 : i32
        %mul3A_85 = arith.muli %add3A_51, %mul3A_84 : i32
        %dma_start3A_86 = tpu.memref_slice %arg7[%mul3A_85] : memref<10080xi32, #tpu.memory_space<vmem>> -> memref<112xi32, #tpu.memory_space<vmem>>
        %dma_start3A_87 = arith.constant 0 : i32
        %dma_start3A_88 = arith.constant 0 : i32
        %dma_start3A_89 = tpu.memref_slice %arg2[%dma_start3A_87, %dma_start3A_88] : memref<10000x128xf32, #tpu.memory_space<hbm>> -> memref<10000x128xf32, #tpu.memory_space<hbm>>
        tpu.enqueue_indirect_dma source(%dma_start3A_89 : memref<10000x128xf32, #tpu.memory_space<hbm>>) target(%arg10 : memref<112x128xf32, #tpu.memory_space<vmem>>) offsets(%dma_start3A_86 : memref<112xi32, #tpu.memory_space<vmem>>) semaphore(%arg13 : memref<!tpu.dma_semaphore, #tpu.memory_space<semaphore_mem>>)
      } else {
      }
      %add3A_55 = arith.constant 1 : i32
      %add3A_56 = arith.addi %mul3A_35, %add3A_55 : i32
      %mul3A_57 = arith.constant 112 : i32
      %mul3A_58 = arith.muli %add3A_56, %mul3A_57 : i32
      %dma_wait3A_59 = tpu.memref_slice %arg7[%mul3A_58] : memref<10080xi32, #tpu.memory_space<vmem>> -> memref<112xi32, #tpu.memory_space<vmem>>
      %dma_wait3A_60 = arith.constant 0 : i32
      %dma_wait3A_61 = arith.constant 0 : i32
      %dma_wait3A_62 = tpu.memref_slice %arg2[%dma_wait3A_60, %dma_wait3A_61] : memref<10000x128xf32, #tpu.memory_space<hbm>> -> memref<10000x128xf32, #tpu.memory_space<hbm>>
      tpu.wait_indirect_dma semaphore(%arg13 : memref<!tpu.dma_semaphore, #tpu.memory_space<semaphore_mem>>) src(%dma_wait3A_62 : memref<10000x128xf32, #tpu.memory_space<hbm>>) dst(%arg10 : memref<112x128xf32, #tpu.memory_space<vmem>>)
      %mul3A_63 = arith.constant 112 : i32
      %mul3A_64 = arith.muli %add3A_56, %mul3A_63 : i32
      %dma_start3A_65 = tpu.memref_slice %arg8[%mul3A_64] : memref<10080xi32, #tpu.memory_space<vmem>> -> memref<112xi32, #tpu.memory_space<vmem>>
      %dma_start3A_66 = arith.constant 0 : i32
      %dma_start3A_67 = arith.constant 0 : i32
      %dma_start3A_68 = tpu.memref_slice %arg11[%dma_start3A_66, %dma_start3A_67] : memref<10112x128xf32, #tpu.memory_space<vmem_shared>> -> memref<10112x128xf32, #tpu.memory_space<vmem_shared>>
      tpu.enqueue_indirect_dma source(%arg10 : memref<112x128xf32, #tpu.memory_space<vmem>>) target(%dma_start3A_68 : memref<10112x128xf32, #tpu.memory_space<vmem_shared>>) offsets(%dma_start3A_65 : memref<112xi32, #tpu.memory_space<vmem>>) semaphore(%arg15 : memref<!tpu.dma_semaphore, #tpu.memory_space<semaphore_mem>>) {add = true}
      %add3A_69 = arith.constant 1 : i32
      %add3A_70 = arith.addi %add3A_56, %add3A_69 : i32
      %ge3A_71 = arith.constant 2 : i32
      %ge3A_72 = arith.cmpi sge, %add3A_70, %ge3A_71 : i32
      %lt3A_73 = arith.constant 90 : i32
      %lt3A_74 = arith.cmpi slt, %add3A_70, %lt3A_73 : i32
      %and3A_75 = arith.andi %ge3A_72, %lt3A_74 : i1
      %convert_element_type3A_76 = arith.extui %and3A_75 : i1 to i32
      %cond3A_77 = arith.constant 0 : i32
      %cond3A_78 = arith.cmpi ne, %convert_element_type3A_76, %cond3A_77 : i32
      scf.if %cond3A_78 {
        %dma_wait3A_79 = arith.constant 0 : i32
        %dma_wait3A_80 = tpu.memref_slice %arg8[%dma_wait3A_79] : memref<10080xi32, #tpu.memory_space<vmem>> -> memref<112xi32, #tpu.memory_space<vmem>>
        %dma_wait3A_81 = arith.constant 0 : i32
        %dma_wait3A_82 = arith.constant 0 : i32
        %dma_wait3A_83 = tpu.memref_slice %arg11[%dma_wait3A_81, %dma_wait3A_82] : memref<10112x128xf32, #tpu.memory_space<vmem_shared>> -> memref<10112x128xf32, #tpu.memory_space<vmem_shared>>
        tpu.wait_indirect_dma semaphore(%arg14 : memref<!tpu.dma_semaphore, #tpu.memory_space<semaphore_mem>>) src(%arg9 : memref<112x128xf32, #tpu.memory_space<vmem>>) dst(%dma_wait3A_83 : memref<10112x128xf32, #tpu.memory_space<vmem_shared>>)
        %mul3A_84 = arith.constant 112 : i32
        %mul3A_85 = arith.muli %add3A_70, %mul3A_84 : i32
        %dma_start3A_86 = tpu.memref_slice %arg7[%mul3A_85] : memref<10080xi32, #tpu.memory_space<vmem>> -> memref<112xi32, #tpu.memory_space<vmem>>
        %dma_start3A_87 = arith.constant 0 : i32
        %dma_start3A_88 = arith.constant 0 : i32
        %dma_start3A_89 = tpu.memref_slice %arg2[%dma_start3A_87, %dma_start3A_88] : memref<10000x128xf32, #tpu.memory_space<hbm>> -> memref<10000x128xf32, #tpu.memory_space<hbm>>
        tpu.enqueue_indirect_dma source(%dma_start3A_89 : memref<10000x128xf32, #tpu.memory_space<hbm>>) target(%arg9 : memref<112x128xf32, #tpu.memory_space<vmem>>) offsets(%dma_start3A_86 : memref<112xi32, #tpu.memory_space<vmem>>) semaphore(%arg12 : memref<!tpu.dma_semaphore, #tpu.memory_space<semaphore_mem>>)
      } else {
      }
    }
    %scan3A_18 = arith.constant 45 : i32
    %dma_wait3A = arith.constant 0 : i32
    %dma_wait3A_19 = tpu.memref_slice %arg8[%dma_wait3A] : memref<10080xi32, #tpu.memory_space<vmem>> -> memref<112xi32, #tpu.memory_space<vmem>>
    %dma_wait3A_20 = arith.constant 0 : i32
    %dma_wait3A_21 = arith.constant 0 : i32
    %dma_wait3A_22 = tpu.memref_slice %arg11[%dma_wait3A_20, %dma_wait3A_21] : memref<10112x128xf32, #tpu.memory_space<vmem_shared>> -> memref<10112x128xf32, #tpu.memory_space<vmem_shared>>
    tpu.wait_indirect_dma semaphore(%arg14 : memref<!tpu.dma_semaphore, #tpu.memory_space<semaphore_mem>>) src(%arg9 : memref<112x128xf32, #tpu.memory_space<vmem>>) dst(%dma_wait3A_22 : memref<10112x128xf32, #tpu.memory_space<vmem_shared>>)
    %dma_wait3A_23 = arith.constant 0 : i32
    %dma_wait3A_24 = tpu.memref_slice %arg8[%dma_wait3A_23] : memref<10080xi32, #tpu.memory_space<vmem>> -> memref<112xi32, #tpu.memory_space<vmem>>
    %dma_wait3A_25 = arith.constant 0 : i32
    %dma_wait3A_26 = arith.constant 0 : i32
    %dma_wait3A_27 = tpu.memref_slice %arg11[%dma_wait3A_25, %dma_wait3A_26] : memref<10112x128xf32, #tpu.memory_space<vmem_shared>> -> memref<10112x128xf32, #tpu.memory_space<vmem_shared>>
    tpu.wait_indirect_dma semaphore(%arg15 : memref<!tpu.dma_semaphore, #tpu.memory_space<semaphore_mem>>) src(%arg10 : memref<112x128xf32, #tpu.memory_space<vmem>>) dst(%dma_wait3A_27 : memref<10112x128xf32, #tpu.memory_space<vmem_shared>>)
    %barrier3A_28 = arith.constant 0 : index
    tpu.barrier barrier_id(%barrier3A_28)
    %mul3A_29 = arith.constant 632 : i32
    %mul3A_30 = arith.muli %arg1, %mul3A_29 : i32
    %mul3A_31 = arith.constant 632 : i32
    %mul3A_32 = arith.muli %arg1, %mul3A_31 : i32
    "tpu.region"() ({
      %run_scoped3A = tpu.sem_alloc : memref<!tpu.dma_semaphore, #tpu.memory_space<semaphore_mem>>
      %dma_start3A_33 = arith.constant 0 : i32
      %dma_start3A_34 = arith.constant 0 : i32
      %dma_start3A_35 = tpu.memref_slice %arg6[%arg0, %dma_start3A_33, %dma_start3A_34] : memref<2x10112x128xf32, #tpu.memory_space<hbm>> -> memref<1x10112x128xf32, #tpu.memory_space<hbm>>
      %dma_start3A_36 = tpu.memref_squeeze %dma_start3A_35 : memref<1x10112x128xf32, #tpu.memory_space<hbm>> -> memref<10112x128xf32, #tpu.memory_space<hbm>>
      %dma_start3A_37 = arith.constant 0 : i32
      %dma_start3A_38 = tpu.memref_slice %dma_start3A_36[%mul3A_32, %dma_start3A_37] : memref<10112x128xf32, #tpu.memory_space<hbm>> -> memref<632x128xf32, #tpu.memory_space<hbm>>
      %dma_start3A_39 = arith.constant 0 : i32
      %dma_start3A_40 = tpu.memref_slice %arg11[%mul3A_30, %dma_start3A_39] : memref<10112x128xf32, #tpu.memory_space<vmem_shared>> -> memref<632x128xf32, #tpu.memory_space<vmem_shared>>
      tpu.enqueue_dma source(%dma_start3A_40 : memref<632x128xf32, #tpu.memory_space<vmem_shared>>) target(%dma_start3A_38 : memref<632x128xf32, #tpu.memory_space<hbm>>) target_semaphore(%run_scoped3A : memref<!tpu.dma_semaphore, #tpu.memory_space<semaphore_mem>>)
      %dma_wait3A_41 = arith.constant 0 : i32
      %dma_wait3A_42 = arith.constant 0 : i32
      %dma_wait3A_43 = tpu.memref_slice %arg6[%arg0, %dma_wait3A_41, %dma_wait3A_42] : memref<2x10112x128xf32, #tpu.memory_space<hbm>> -> memref<1x10112x128xf32, #tpu.memory_space<hbm>>
      %dma_wait3A_44 = tpu.memref_squeeze %dma_wait3A_43 : memref<1x10112x128xf32, #tpu.memory_space<hbm>> -> memref<10112x128xf32, #tpu.memory_space<hbm>>
      %dma_wait3A_45 = arith.constant 0 : i32
      %dma_wait3A_46 = tpu.memref_slice %dma_wait3A_44[%mul3A_32, %dma_wait3A_45] : memref<10112x128xf32, #tpu.memory_space<hbm>> -> memref<632x128xf32, #tpu.memory_space<hbm>>
      %dma_wait3A_47 = arith.constant 0 : i32
      %dma_wait3A_48 = tpu.memref_slice %arg11[%mul3A_30, %dma_wait3A_47] : memref<10112x128xf32, #tpu.memory_space<vmem_shared>> -> memref<632x128xf32, #tpu.memory_space<vmem_shared>>
      tpu.wait_dma2 semaphore(%run_scoped3A : memref<!tpu.dma_semaphore, #tpu.memory_space<semaphore_mem>>) src(%dma_wait3A_48 : memref<632x128xf32, #tpu.memory_space<vmem_shared>>) dst(%dma_wait3A_46 : memref<632x128xf32, #tpu.memory_space<hbm>>)
      tpu.yield
    }) : () -> ()
    return
  }
}

module attributes {stable_mosaic.version = 14 : i64} {
  func.func @_tc1_body(%arg0: i32, %arg1: memref<2000x128xf32, #tpu.memory_space<vmem>>, %arg2: memref<128x128xf32, #tpu.memory_space<vmem>>, %arg3: memref<128x128xf32, #tpu.memory_space<vmem>>, %arg4: memref<1x128xf32, #tpu.memory_space<vmem>>, %arg5: memref<2000x128xf32, #tpu.memory_space<vmem>>, %arg6: memref<2000x128xf32, #tpu.memory_space<vmem>>) attributes {dimension_semantics = [#tpu.dimension_semantics<arbitrary>], iteration_bounds = array<i64: 5>, scalar_prefetch = 0 : i64, scratch_operands = 0 : i64, tpu.core_type = #tpu.core_type<tc>, window_params = [{transform_indices = @transform_0, window_bounds = array<i64: 2000, 128>}, {pipeline_mode = #tpu.pipeline_mode<synchronous>, transform_indices = @transform_1, window_bounds = array<i64: 128, 128>}, {pipeline_mode = #tpu.pipeline_mode<synchronous>, transform_indices = @transform_2, window_bounds = array<i64: 128, 128>}, {pipeline_mode = #tpu.pipeline_mode<synchronous>, transform_indices = @transform_3, window_bounds = array<i64: 1, 128>}, {transform_indices = @transform_4, window_bounds = array<i64: 2000, 128>}, {transform_indices = @transform_5, window_bounds = array<i64: 2000, 128>}]} {
    %get3A = arith.constant 0 : index
    %get3A_0 = arith.constant 0 : index
    %get3A_1 = vector.load %arg1[%get3A, %get3A_0] : memref<2000x128xf32, #tpu.memory_space<vmem>>, vector<2000x128xf32>
    %get3A_2 = arith.constant 0 : index
    %get3A_3 = arith.constant 0 : index
    %get3A_4 = vector.load %arg2[%get3A_2, %get3A_3] : memref<128x128xf32, #tpu.memory_space<vmem>>, vector<128x128xf32>
    %dot_general3A = arith.constant dense<0.000000e+00> : vector<2000x128xf32>
    %dot_general3A_5 = tpu.matmul %get3A_1, %get3A_4, %dot_general3A {dimension_numbers = #tpu.dot_dimension_numbers<[1], [0], [0], [1], [0, 0, 1, 1], [], []>, transpose_lhs_hint = false} : vector<2000x128xf32>, vector<128x128xf32>, vector<2000x128xf32> -> vector<2000x128xf32>
    %swap3A = arith.constant 0 : index
    %swap3A_6 = arith.constant 0 : index
    %swap3A_7 = vector.load %arg5[%swap3A, %swap3A_6] : memref<2000x128xf32, #tpu.memory_space<vmem>>, vector<2000x128xf32>
    tpu.vector_store %arg5[%swap3A, %swap3A_6], %dot_general3A_5 {strides = array<i32>} : memref<2000x128xf32, #tpu.memory_space<vmem>>, vector<2000x128xf32>,
    %get3A_8 = arith.constant 0 : index
    %get3A_9 = arith.constant 0 : index
    %get3A_10 = vector.load %arg3[%get3A_8, %get3A_9] : memref<128x128xf32, #tpu.memory_space<vmem>>, vector<128x128xf32>
    %dot_general3A_11 = arith.constant dense<0.000000e+00> : vector<2000x128xf32>
    %dot_general3A_12 = tpu.matmul %get3A_1, %get3A_10, %dot_general3A_11 {dimension_numbers = #tpu.dot_dimension_numbers<[1], [0], [0], [1], [0, 0, 1, 1], [], []>, transpose_lhs_hint = false} : vector<2000x128xf32>, vector<128x128xf32>, vector<2000x128xf32> -> vector<2000x128xf32>
    %get3A_13 = arith.constant 0 : index
    %get3A_14 = arith.constant 0 : index
    %get3A_15 = vector.load %arg4[%get3A_13, %get3A_14] : memref<1x128xf32, #tpu.memory_space<vmem>>, vector<1x128xf32>
    %add3A = vector.broadcast %get3A_15 : vector<1x128xf32> to vector<2000x128xf32>
    %add3A_16 = arith.addf %dot_general3A_12, %add3A : vector<2000x128xf32>
    %swap3A_17 = arith.constant 0 : index
    %swap3A_18 = arith.constant 0 : index
    %swap3A_19 = vector.load %arg6[%swap3A_17, %swap3A_18] : memref<2000x128xf32, #tpu.memory_space<vmem>>, vector<2000x128xf32>
    tpu.vector_store %arg6[%swap3A_17, %swap3A_18], %add3A_16 {strides = array<i32>} : memref<2000x128xf32, #tpu.memory_space<vmem>>, vector<2000x128xf32>,
    return
  }
  func.func @transform_0(%arg0: i32) -> (i32, i32) {
    %c0_i32 = arith.constant 0 : i32
    %c0_i32_0 = arith.constant 0 : i32
    return %arg0, %c0_i32 : i32, i32
  }
  func.func @transform_1(%arg0: i32) -> (i32, i32) {
    %c0_i32 = arith.constant 0 : i32
    %c0_i32_0 = arith.constant 0 : i32
    %c0_i32_1 = arith.constant 0 : i32
    return %c0_i32, %c0_i32_0 : i32, i32
  }
  func.func @transform_2(%arg0: i32) -> (i32, i32) {
    %c0_i32 = arith.constant 0 : i32
    %c0_i32_0 = arith.constant 0 : i32
    %c0_i32_1 = arith.constant 0 : i32
    return %c0_i32, %c0_i32_0 : i32, i32
  }
  func.func @transform_3(%arg0: i32) -> (i32, i32) {
    %c0_i32 = arith.constant 0 : i32
    %c0_i32_0 = arith.constant 0 : i32
    %c0_i32_1 = arith.constant 0 : i32
    return %c0_i32, %c0_i32_0 : i32, i32
  }
  func.func @transform_4(%arg0: i32) -> (i32, i32) {
    %c0_i32 = arith.constant 0 : i32
    %c0_i32_0 = arith.constant 0 : i32
    return %arg0, %c0_i32 : i32, i32
  }
  func.func @transform_5(%arg0: i32) -> (i32, i32) {
    %c0_i32 = arith.constant 0 : i32
    %c0_i32_0 = arith.constant 0 : i32
    return %arg0, %c0_i32 : i32, i32
  }
}

module attributes {stable_mosaic.version = 14 : i64} {
  func.func @_tc2_body(%arg0: i32, %arg1: memref<2000x128xf32, #tpu.memory_space<vmem>>, %arg2: memref<2000x128xf32, #tpu.memory_space<vmem>>, %arg3: memref<2000x128xf32, #tpu.memory_space<vmem>>, %arg4: memref<2000x1xf32, #tpu.memory_space<vmem>>, %arg5: memref<2000x1xf32, #tpu.memory_space<vmem>>, %arg6: memref<128x128xf32, #tpu.memory_space<vmem>>, %arg7: memref<128x128xf32, #tpu.memory_space<vmem>>, %arg8: memref<1x128xf32, #tpu.memory_space<vmem>>, %arg9: memref<2000x128xf32, #tpu.memory_space<vmem>>, %arg10: memref<2000x128xf32, #tpu.memory_space<vmem>>) attributes {dimension_semantics = [#tpu.dimension_semantics<arbitrary>], iteration_bounds = array<i64: 5>, scalar_prefetch = 0 : i64, scratch_operands = 0 : i64, tpu.core_type = #tpu.core_type<tc>, window_params = [{transform_indices = @transform_0, window_bounds = array<i64: 2000, 128>}, {transform_indices = @transform_1, window_bounds = array<i64: 2000, 128>}, {transform_indices = @transform_2, window_bounds = array<i64: 2000, 128>}, {transform_indices = @transform_3, window_bounds = array<i64: 2000, 1>}, {transform_indices = @transform_4, window_bounds = array<i64: 2000, 1>}, {pipeline_mode = #tpu.pipeline_mode<synchronous>, transform_indices = @transform_5, window_bounds = array<i64: 128, 128>}, {pipeline_mode = #tpu.pipeline_mode<synchronous>, transform_indices = @transform_6, window_bounds = array<i64: 128, 128>}, {pipeline_mode = #tpu.pipeline_mode<synchronous>, transform_indices = @transform_7, window_bounds = array<i64: 1, 128>}, {transform_indices = @transform_8, window_bounds = array<i64: 2000, 128>}, {transform_indices = @transform_9, window_bounds = array<i64: 2000, 128>}]} {
    %get3A = arith.constant 0 : index
    %get3A_0 = arith.constant 0 : index
    %get3A_1 = vector.load %arg4[%get3A, %get3A_0] : memref<2000x1xf32, #tpu.memory_space<vmem>>, vector<2000x1xf32>
    %get3A_2 = arith.constant 0 : index
    %get3A_3 = arith.constant 0 : index
    %get3A_4 = vector.load %arg5[%get3A_2, %get3A_3] : memref<2000x1xf32, #tpu.memory_space<vmem>>, vector<2000x1xf32>
    %add3A = arith.addf %get3A_1, %get3A_4 : vector<2000x1xf32>
    %max3A = arith.constant 1.000000e+00 : f32
    %max3A_5 = vector.broadcast %max3A : f32 to vector<2000x1xf32>
    %max3A_6 = arith.maximumf %add3A, %max3A_5 : vector<2000x1xf32>
    %div3A = arith.constant 1.000000e+00 : f32
    %div3A_7 = vector.broadcast %div3A : f32 to vector<2000x1xf32>
    %div3A_8 = arith.divf %div3A_7, %max3A_6 : vector<2000x1xf32>
    %get3A_9 = arith.constant 0 : index
    %get3A_10 = arith.constant 0 : index
    %get3A_11 = vector.load %arg1[%get3A_9, %get3A_10] : memref<2000x128xf32, #tpu.memory_space<vmem>>, vector<2000x128xf32>
    %get3A_12 = arith.constant 0 : index
    %get3A_13 = arith.constant 0 : index
    %get3A_14 = vector.load %arg2[%get3A_12, %get3A_13] : memref<2000x128xf32, #tpu.memory_space<vmem>>, vector<2000x128xf32>
    %get3A_15 = arith.constant 0 : index
    %get3A_16 = arith.constant 0 : index
    %get3A_17 = vector.load %arg3[%get3A_15, %get3A_16] : memref<2000x128xf32, #tpu.memory_space<vmem>>, vector<2000x128xf32>
    %add3A_18 = arith.addf %get3A_14, %get3A_17 : vector<2000x128xf32>
    %mul3A = vector.broadcast %div3A_8 : vector<2000x1xf32> to vector<2000x128xf32>
    %mul3A_19 = arith.mulf %add3A_18, %mul3A : vector<2000x128xf32>
    %add3A_20 = arith.addf %get3A_11, %mul3A_19 : vector<2000x128xf32>
    %max3A_21 = arith.constant 0.000000e+00 : f32
    %max3A_22 = vector.broadcast %max3A_21 : f32 to vector<2000x128xf32>
    %max3A_23 = arith.maximumf %add3A_20, %max3A_22 : vector<2000x128xf32>
    %get3A_24 = arith.constant 0 : index
    %get3A_25 = arith.constant 0 : index
    %get3A_26 = vector.load %arg6[%get3A_24, %get3A_25] : memref<128x128xf32, #tpu.memory_space<vmem>>, vector<128x128xf32>
    %dot_general3A = arith.constant dense<0.000000e+00> : vector<2000x128xf32>
    %dot_general3A_27 = tpu.matmul %max3A_23, %get3A_26, %dot_general3A {dimension_numbers = #tpu.dot_dimension_numbers<[1], [0], [0], [1], [0, 0, 1, 1], [], []>, transpose_lhs_hint = false} : vector<2000x128xf32>, vector<128x128xf32>, vector<2000x128xf32> -> vector<2000x128xf32>
    %swap3A = arith.constant 0 : index
    %swap3A_28 = arith.constant 0 : index
    %swap3A_29 = vector.load %arg9[%swap3A, %swap3A_28] : memref<2000x128xf32, #tpu.memory_space<vmem>>, vector<2000x128xf32>
    tpu.vector_store %arg9[%swap3A, %swap3A_28], %dot_general3A_27 {strides = array<i32>} : memref<2000x128xf32, #tpu.memory_space<vmem>>, vector<2000x128xf32>,
    %get3A_30 = arith.constant 0 : index
    %get3A_31 = arith.constant 0 : index
    %get3A_32 = vector.load %arg7[%get3A_30, %get3A_31] : memref<128x128xf32, #tpu.memory_space<vmem>>, vector<128x128xf32>
    %dot_general3A_33 = arith.constant dense<0.000000e+00> : vector<2000x128xf32>
    %dot_general3A_34 = tpu.matmul %max3A_23, %get3A_32, %dot_general3A_33 {dimension_numbers = #tpu.dot_dimension_numbers<[1], [0], [0], [1], [0, 0, 1, 1], [], []>, transpose_lhs_hint = false} : vector<2000x128xf32>, vector<128x128xf32>, vector<2000x128xf32> -> vector<2000x128xf32>
    %get3A_35 = arith.constant 0 : index
    %get3A_36 = arith.constant 0 : index
    %get3A_37 = vector.load %arg8[%get3A_35, %get3A_36] : memref<1x128xf32, #tpu.memory_space<vmem>>, vector<1x128xf32>
    %add3A_38 = vector.broadcast %get3A_37 : vector<1x128xf32> to vector<2000x128xf32>
    %add3A_39 = arith.addf %dot_general3A_34, %add3A_38 : vector<2000x128xf32>
    %swap3A_40 = arith.constant 0 : index
    %swap3A_41 = arith.constant 0 : index
    %swap3A_42 = vector.load %arg10[%swap3A_40, %swap3A_41] : memref<2000x128xf32, #tpu.memory_space<vmem>>, vector<2000x128xf32>
    tpu.vector_store %arg10[%swap3A_40, %swap3A_41], %add3A_39 {strides = array<i32>} : memref<2000x128xf32, #tpu.memory_space<vmem>>, vector<2000x128xf32>,
    return
  }
  func.func @transform_0(%arg0: i32) -> (i32, i32) {
    %c0_i32 = arith.constant 0 : i32
    %c0_i32_0 = arith.constant 0 : i32
    return %arg0, %c0_i32 : i32, i32
  }
  func.func @transform_1(%arg0: i32) -> (i32, i32) {
    %c0_i32 = arith.constant 0 : i32
    %c0_i32_0 = arith.constant 0 : i32
    return %arg0, %c0_i32 : i32, i32
  }
  func.func @transform_2(%arg0: i32) -> (i32, i32) {
    %c0_i32 = arith.constant 0 : i32
    %c0_i32_0 = arith.constant 0 : i32
    return %arg0, %c0_i32 : i32, i32
  }
  func.func @transform_3(%arg0: i32) -> (i32, i32) {
    %c0_i32 = arith.constant 0 : i32
    %c0_i32_0 = arith.constant 0 : i32
    return %arg0, %c0_i32 : i32, i32
  }
  func.func @transform_4(%arg0: i32) -> (i32, i32) {
    %c0_i32 = arith.constant 0 : i32
    %c0_i32_0 = arith.constant 0 : i32
    return %arg0, %c0_i32 : i32, i32
  }
  func.func @transform_5(%arg0: i32) -> (i32, i32) {
    %c0_i32 = arith.constant 0 : i32
    %c0_i32_0 = arith.constant 0 : i32
    %c0_i32_1 = arith.constant 0 : i32
    return %c0_i32, %c0_i32_0 : i32, i32
  }
  func.func @transform_6(%arg0: i32) -> (i32, i32) {
    %c0_i32 = arith.constant 0 : i32
    %c0_i32_0 = arith.constant 0 : i32
    %c0_i32_1 = arith.constant 0 : i32
    return %c0_i32, %c0_i32_0 : i32, i32
  }
  func.func @transform_7(%arg0: i32) -> (i32, i32) {
    %c0_i32 = arith.constant 0 : i32
    %c0_i32_0 = arith.constant 0 : i32
    %c0_i32_1 = arith.constant 0 : i32
    return %c0_i32, %c0_i32_0 : i32, i32
  }
  func.func @transform_8(%arg0: i32) -> (i32, i32) {
    %c0_i32 = arith.constant 0 : i32
    %c0_i32_0 = arith.constant 0 : i32
    return %arg0, %c0_i32 : i32, i32
  }
  func.func @transform_9(%arg0: i32) -> (i32, i32) {
    %c0_i32 = arith.constant 0 : i32
    %c0_i32_0 = arith.constant 0 : i32
    return %arg0, %c0_i32 : i32, i32
  }
}

module attributes {stable_mosaic.version = 14 : i64} {
  func.func @_tc3_body(%arg0: i32, %arg1: memref<2000x128xf32, #tpu.memory_space<vmem>>, %arg2: memref<2000x128xf32, #tpu.memory_space<vmem>>, %arg3: memref<2000x128xf32, #tpu.memory_space<vmem>>, %arg4: memref<2000x1xf32, #tpu.memory_space<vmem>>, %arg5: memref<2000x1xf32, #tpu.memory_space<vmem>>, %arg6: memref<2000x128xf32, #tpu.memory_space<vmem>>) attributes {dimension_semantics = [#tpu.dimension_semantics<arbitrary>], iteration_bounds = array<i64: 5>, scalar_prefetch = 0 : i64, scratch_operands = 0 : i64, tpu.core_type = #tpu.core_type<tc>, window_params = [{transform_indices = @transform_0, window_bounds = array<i64: 2000, 128>}, {transform_indices = @transform_1, window_bounds = array<i64: 2000, 128>}, {transform_indices = @transform_2, window_bounds = array<i64: 2000, 128>}, {transform_indices = @transform_3, window_bounds = array<i64: 2000, 1>}, {transform_indices = @transform_4, window_bounds = array<i64: 2000, 1>}, {transform_indices = @transform_5, window_bounds = array<i64: 2000, 128>}]} {
    %get3A = arith.constant 0 : index
    %get3A_0 = arith.constant 0 : index
    %get3A_1 = vector.load %arg4[%get3A, %get3A_0] : memref<2000x1xf32, #tpu.memory_space<vmem>>, vector<2000x1xf32>
    %get3A_2 = arith.constant 0 : index
    %get3A_3 = arith.constant 0 : index
    %get3A_4 = vector.load %arg5[%get3A_2, %get3A_3] : memref<2000x1xf32, #tpu.memory_space<vmem>>, vector<2000x1xf32>
    %add3A = arith.addf %get3A_1, %get3A_4 : vector<2000x1xf32>
    %max3A = arith.constant 1.000000e+00 : f32
    %max3A_5 = vector.broadcast %max3A : f32 to vector<2000x1xf32>
    %max3A_6 = arith.maximumf %add3A, %max3A_5 : vector<2000x1xf32>
    %div3A = arith.constant 1.000000e+00 : f32
    %div3A_7 = vector.broadcast %div3A : f32 to vector<2000x1xf32>
    %div3A_8 = arith.divf %div3A_7, %max3A_6 : vector<2000x1xf32>
    %get3A_9 = arith.constant 0 : index
    %get3A_10 = arith.constant 0 : index
    %get3A_11 = vector.load %arg1[%get3A_9, %get3A_10] : memref<2000x128xf32, #tpu.memory_space<vmem>>, vector<2000x128xf32>
    %get3A_12 = arith.constant 0 : index
    %get3A_13 = arith.constant 0 : index
    %get3A_14 = vector.load %arg2[%get3A_12, %get3A_13] : memref<2000x128xf32, #tpu.memory_space<vmem>>, vector<2000x128xf32>
    %get3A_15 = arith.constant 0 : index
    %get3A_16 = arith.constant 0 : index
    %get3A_17 = vector.load %arg3[%get3A_15, %get3A_16] : memref<2000x128xf32, #tpu.memory_space<vmem>>, vector<2000x128xf32>
    %add3A_18 = arith.addf %get3A_14, %get3A_17 : vector<2000x128xf32>
    %mul3A = vector.broadcast %div3A_8 : vector<2000x1xf32> to vector<2000x128xf32>
    %mul3A_19 = arith.mulf %add3A_18, %mul3A : vector<2000x128xf32>
    %add3A_20 = arith.addf %get3A_11, %mul3A_19 : vector<2000x128xf32>
    %swap3A = arith.constant 0 : index
    %swap3A_21 = arith.constant 0 : index
    %swap3A_22 = vector.load %arg6[%swap3A, %swap3A_21] : memref<2000x128xf32, #tpu.memory_space<vmem>>, vector<2000x128xf32>
    tpu.vector_store %arg6[%swap3A, %swap3A_21], %add3A_20 {strides = array<i32>} : memref<2000x128xf32, #tpu.memory_space<vmem>>, vector<2000x128xf32>,
    return
  }
  func.func @transform_0(%arg0: i32) -> (i32, i32) {
    %c0_i32 = arith.constant 0 : i32
    %c0_i32_0 = arith.constant 0 : i32
    return %arg0, %c0_i32 : i32, i32
  }
  func.func @transform_1(%arg0: i32) -> (i32, i32) {
    %c0_i32 = arith.constant 0 : i32
    %c0_i32_0 = arith.constant 0 : i32
    return %arg0, %c0_i32 : i32, i32
  }
  func.func @transform_2(%arg0: i32) -> (i32, i32) {
    %c0_i32 = arith.constant 0 : i32
    %c0_i32_0 = arith.constant 0 : i32
    return %arg0, %c0_i32 : i32, i32
  }
  func.func @transform_3(%arg0: i32) -> (i32, i32) {
    %c0_i32 = arith.constant 0 : i32
    %c0_i32_0 = arith.constant 0 : i32
    return %arg0, %c0_i32 : i32, i32
  }
  func.func @transform_4(%arg0: i32) -> (i32, i32) {
    %c0_i32 = arith.constant 0 : i32
    %c0_i32_0 = arith.constant 0 : i32
    return %arg0, %c0_i32 : i32, i32
  }
  func.func @transform_5(%arg0: i32) -> (i32, i32) {
    %c0_i32 = arith.constant 0 : i32
    %c0_i32_0 = arith.constant 0 : i32
    return %arg0, %c0_i32 : i32, i32
  }
}

</mosaic_0001>

<sc_bundles>
// kernel: kernel.11.cloned.1.call-start
scs
__scs_entry_jumppad:
0x0: {  	(pc) =	sbr.rel $0x88, $3  }
0x1: {  	(tag) =	ssettag $0x0;
	lr =	simm.s32 $0x1  }
0x2: {  	[smem:$0x3F99] =	sst lr;
	_ =	strace $0xD0000000  }
0x3: {  	_ = 	snop  }
0x4: {  	_ = 	snop  }
0x5: {  	_ = 	snop  }
0x6: {  	_ = 	snop  }
0x7: {  	_ = 	snop  }
__scs_overlays_trampoline_lowered:
0x8: {  	[smem:$0x3FA8] =	sst s0  }
0x9: {  	[smem:$0x3FA9] =	sst s1  }
0xa: {  	[smem:$0x3FAA] =	sst s2  }
0xb: {  	[smem:$0x3FAB] =	sst s3  }
0xc: {  	[smem:$0x3FAC] =	sst s4  }
0xd: {  	[smem:$0x3FAD] =	sst s5  }
0xe: {  	[smem:$0x3FAE] =	sst s6  }
0xf: {  	[smem:$0x3FAF] =	sst s7  }
0x10: {  	[smem:$0x3FB0] =	sst s8  }
0x11: {  	[smem:$0x3FB1] =	sst s9;
	s0 =	simm.s32 @!p0 $0x0  }
0x12: {  	s1 =	sld [smem:$0x3F97];
	s0 =	simm.s32 @p0 $0x1  }
0x13: {  	[smem:$0x3FB2] =	sst s0;
	s0 =	simm.s32 @!p1 $0x0  }
0x14: {  	s2 =	sld [smem:$0x3F96];
	s0 =	simm.s32 @p1 $0x1  }
0x15: {  	[smem:$0x3FB3] =	sst s0;
	s0 =	simm.s32 @!p2 $0x0  }
0x16: {  	s3 =	sld [smem:$0x3FDB];
	s0 =	simm.s32 @p2 $0x1  }
0x17: {  	s4 =	simm.s32 $0x1BF5;
	[smem:$0x3FB5] =	sst s0  }
0x18: {  	s0 =	sld [smem:$0x3F98];
	_ =	swait.ge [sflag:s4], $0x0  }
0x19: {  	s7 =	sld [smem:$0x3F99]  }
0x1a: {  	s8 =	sadd.s32 $0xFFFFE003, lr  }
0x1b: {  	s9 =	sadd.s32 $0xFFFFFEF7, lr;
	s5 =	simm.s32 $0xFFFFFFFF;
	p2 =	slt.u32 s8, $0xFFFFF086  }
0x1c: {  	p1 =	slt.u32 s9, $0xF7A;
	s5 =	simm.s32 @!p2 $0x0  }
0x1d: {  	s5 =	simm.s32 @p1 $0x1;
	p0 =	seq.s32 s7, s2  }
0x1e: {  	s7 =	smul.u32 @!p0 $0xF7A, s2;
	p2 =	seq.s32 @!p0 s5, $0x0  }
0x1f: {  	s9 =	smul.u32 $0xF7A, s1;
	s8 =	simm.s32 @!p0 $0x1BF5;
	p2 =	por !p2, p0  }
0x20: {  	[sflag:s8] =	ssyncset.s32 @!p0 $0xFFFFF086;
	s6 =	sadd.s32 @!p0 s3, s7;
	s7 =	simm.s32 @!p0 $0x108  }
0x21: {  	s3 =	sadd.s32 s3, s9;
	s6 =	sadd.s32 @!p0 $0x88, s6;
	s7 =	simm.s32 @p2 $0x1082  }
0x22: {  	[simem:s7], [sflag:s8] =	dma.local @!p0 [hbm:s6], $0xF7A  }
0x23: {  	s9 =	sor.u32 $0xD0000000, s2;
	s6 =	simm.s32 $0x108;
	_ =	swait.ge @!p0 [sflag:s8], $0x0  }
0x24: {  	s3 =	sadd.s32 $0x88, s3;
	s6 =	simm.s32 @!p1 $0x1082;
	[sflag:s4] =	ssyncset.s32 $0xFFFFF086  }
0x25: {  	[simem:s6], [sflag:s4] =	dma.local [hbm:s3], $0xF7A  }
0x26: {  	[smem:$0x3F99] =	sst s1;
	(tag) =	ssettag s2;
	_ =	strace s9  }
0x27: {  	s1 =	sld [smem:$0x3FA9]  }
0x28: {  	s2 =	sld [smem:$0x3FAA]  }
0x29: {  	s4 =	sld [smem:$0x3FAC]  }
0x2a: {  	p0 =	seq.s32 s5, $0x0;
	s5 =	sld [smem:$0x3FAD]  }
0x2b: {  	s6 =	sld [smem:$0x3FAE]  }
0x2c: {  	s7 =	sld [smem:$0x3FAF]  }
0x2d: {  	s3 =	simm.s32 $0x108;
	s8 =	sld [smem:$0x3FB0]  }
0x2e: {  	s3 =	simm.s32 @!p0 $0x1082;
	s9 =	sld [smem:$0x3FB1]  }
0x2f: {  	lr =	sadd.s32 s0, s3;
	s0 =	sld [smem:$0x3FA8]  }
0x30: {  	s3 =	sld [smem:$0x3FAB]  }
0x31: {  	[smem:$0x3FB4] =	sst s10  }
0x32: {  	s10 =	sld [smem:$0x3FB2];
	_ =	sdelay $0x3  }
0x33: {  	p0 =	seq.s32 s10, $0x1;
	s10 =	sld [smem:$0x3FB4];
	_ =	sdelay $0x3  }
0x34: {  	[smem:$0x3FB4] =	sst s10  }
0x35: {  	s10 =	sld [smem:$0x3FB3];
	_ =	sdelay $0x3  }
0x36: {  	p1 =	seq.s32 s10, $0x1;
	s10 =	sld [smem:$0x3FB4];
	_ =	sdelay $0x3  }
0x37: {  	[smem:$0x3FB4] =	sst s10  }
0x38: {  	s10 =	sld [smem:$0x3FB5]  }
0x39: {  	_ = 	snop;
	(pc) =	sbr.ind lr, $3  }
0x3a: {  	_ = 	snop  }
0x3b: {  	_ = 	snop  }
0x3c: {  	p2 =	seq.s32 s10, $0x1;
	s10 =	sld [smem:$0x3FB4]  }
0x3d: {  	_ =	shalt  }
0x3e: {  	_ =	shalt  }
0x3f: {  	_ =	shalt  }
0x40: {  	_ =	shalt  }
0x41: {  	_ =	shalt  }
0x42: {  	_ =	shalt  }
0x43: {  	_ =	shalt  }
0x44: {  	_ =	shalt  }
0x45: {  	_ =	shalt  }
0x46: {  	_ =	shalt  }
0x47: {  	_ =	shalt  }
0x48: {  	_ =	shalt  }
0x49: {  	_ =	shalt  }
0x4a: {  	_ =	shalt  }
0x4b: {  	_ =	shalt  }
0x4c: {  	_ =	shalt  }
0x4d: {  	_ =	shalt  }
0x4e: {  	_ =	shalt  }
0x4f: {  	_ =	shalt  }
0x50: {  	_ =	shalt  }
0x51: {  	_ =	shalt  }
0x52: {  	_ =	shalt  }
0x53: {  	_ =	shalt  }
0x54: {  	_ =	shalt  }
0x55: {  	_ =	shalt  }
0x56: {  	_ =	shalt  }
0x57: {  	_ =	shalt  }
0x58: {  	_ =	shalt  }
0x59: {  	_ =	shalt  }
0x5a: {  	_ =	shalt  }
0x5b: {  	_ =	shalt  }
0x5c: {  	_ =	shalt  }
0x5d: {  	_ =	shalt  }
0x5e: {  	_ =	shalt  }
0x5f: {  	_ =	shalt  }
0x60: {  	_ =	shalt  }
0x61: {  	_ =	shalt  }
0x62: {  	_ =	shalt  }
0x63: {  	_ =	shalt  }
0x64: {  	_ =	shalt  }
0x65: {  	_ =	shalt  }
0x66: {  	_ =	shalt  }
0x67: {  	_ =	shalt  }
0x68: {  	_ =	shalt  }
0x69: {  	_ =	shalt  }
0x6a: {  	_ =	shalt  }
0x6b: {  	_ =	shalt  }
0x6c: {  	_ =	shalt  }
0x6d: {  	_ =	shalt  }
0x6e: {  	_ =	shalt  }
0x6f: {  	_ =	shalt  }
0x70: {  	_ =	shalt  }
0x71: {  	_ =	shalt  }
0x72: {  	_ =	shalt  }
0x73: {  	_ =	shalt  }
0x74: {  	_ =	shalt  }
0x75: {  	_ =	shalt  }
0x76: {  	_ =	shalt  }
0x77: {  	_ =	shalt  }
0x78: {  	_ =	shalt  }
0x79: {  	_ =	shalt  }
0x7a: {  	_ =	shalt  }
0x7b: {  	_ =	shalt  }
0x7c: {  	_ =	shalt  }
0x7d: {  	_ =	shalt  }
0x7e: {  	_ =	shalt  }
0x7f: {  	_ =	shalt  }
0x80: {  	_ =	shalt  }
0x81: {  	_ =	shalt  }
0x82: {  	_ =	shalt  }
0x83: {  	_ =	shalt  }
0x84: {  	_ =	shalt  }
0x85: {  	_ =	shalt  }
0x86: {  	_ =	shalt  }
0x87: {  	_ =	shalt  }
.Lfunc_end0:
.L_simem_size_0:
called_computation.1_lowered:
.L_overlay_start_0:
0x88: {  	s2 =	sld [smem:$0x3FD9]  }
0x89: {  	s3 =	sld [smem:$0x3FFE];
	_ =	sdelay $0x1  }
0x8a: {  	s1 =	srdreg.scid  }
0x8b: {  	s0 =	sand.u32 $0x1, s1  }
0x8c: {  	s17 =	sshll.u32 s0, $0xA;
	s2 =	sadd.s32 s3, s2  }
0x8d: {  	s2 =	sadd.s32 s2, s17  }
0x8e: {  	[smem:$0x3FC0] =	sst s2  }
0x8f: {  	_ = 	snop  }
0x90: {  	s18 =	sld [smem:$0x3FD0];
	(tm) =	ssettm $0x1  }
0x91: {  	s19 =	sld [smem:$0x3FFB];
	_ =	sdelay $0x3  }
0x92: {  	_ =	strace s19  }
0x93: {  	s2 =	sld [smem:$0x3FFC];
	_ =	sdelay $0x3  }
0x94: {  	_ =	strace s2  }
0x95: {  	s2 =	sld [smem:$0x3FFD];
	_ =	sdelay $0x3  }
0x96: {  	_ =	strace s2  }
0x97: {  	_ =	strace $0x8FFFFFFF  }
0x98: {  	s20 =	sld [smem:$0x3FDB];
	_ =	sdelay $0x1  }
0x99: {  	s4 =	simm.s32 $_scs_section_size  }
0x9a: {  	s5 =	simm.s32 $_size__tile_overlayer_lowered;
	s6 =	simm.s32 $_tile_overlayer_lowered  }
0x9b: {  	s7 =	simm.s32 $0x1BFF;
	s21 =	sshll.u32 s6, $0x1;
	s4 =	sadd.s32 s4, s20  }
0x9c: {  	s22 =	simm.s32 $0x0;
	s5 =	sshll.u32 s5, $0x1;
	s6 =	sadd.s32 s21, s4  }
0x9d: {  	[timem:s22], [sflag:s7] =	dma.local [hbm:s6], s5  }
0x9e: {  	_ =	swait.ge [sflag:s7], s5  }
0x9f: {  	s5 =	ssub.s32 $0x0, s5;
	[sflag:s7] =	ssyncset.done $0x0  }
0xa0: {  	[sflag:s7] =	ssyncadd.s32 s5;
	_ =	sdelay $0x1  }
0xa1: {  	s23 =	simm.s32 $0x1B8B  }
0xa2: {  	_ =	swait.ge [sflag:s23], $0x1  }
0xa3: {  	[sflag:s23] =	ssyncset.done $0x0  }
0xa4: {  	[sflag:s23] =	ssyncadd.s32 $0xFFFFFFFF  }
0xa5: {  	s5 =	sld [smem:$0x0]  }
0xa6: {  	s6 =	sand.u32 $0xFFFFFFFE, s1  }
0xa7: {  	p0 =	sne.s32 s1, s6  }
0xa8: {  	s6 =	sshll.u32 @p0 s6, $0xE  }
0xa9: {  	s6 =	sadd.s32 @p0 $0x11B8D, s6;
	s7 =	sshll.u32 @p0 s5, $0x11  }
0xaa: {  	s6 =	sor.u32 @p0 s7, s6  }
0xab: {  	[sflag:s6] =	ssyncadd.remote.s32 @p0 $0x1;
	_ =	sdelay $0x1  }
0xac: {  	s6 =	simm.s32 @p0 $0x1B8D  }
0xad: {  	_ =	swait.eq @p0 [sflag:s6], $0x1  }
0xae: {  	[sflag:s6] =	ssyncadd.s32 @p0 $0xFFFFFFFF  }
0xaf: {  	s7 =	sshll.u32 @!p0 s1, $0xE  }
0xb0: {  	s7 =	sor.u32 @!p0 $0x4000, s7;
	s6 =	simm.s32 @!p0 $0x1B8D  }
0xb1: {  	s5 =	sshll.u32 @!p0 s5, $0x11;
	s7 =	sadd.s32 @!p0 $0x11B8D, s7;
	_ =	swait.eq @!p0 [sflag:s6], $0x1  }
0xb2: {  	s5 =	sor.u32 @!p0 s5, s7;
	[sflag:s6] =	ssyncadd.s32 @!p0 $0xFFFFFFFF  }
0xb3: {  	s25 =	simm.s32 $0x1B8E;
	s24 =	sld [smem:$0x3FFE];
	[sflag:s5] =	ssyncadd.remote.s32 @!p0 $0x1  }
0xb4: {  	s26 =	simm.s32 $execute0_lowered;
	[smem:$0x3FD2] =	sst s25  }
0xb5: {  	s6 =	sshll.u32 s26, $0x1;
	_ =	strace $0x80000049;
	[dreg:$0x1] =	wrdreg $0xFFFFFFFF  }
0xb6: {  	s28 =	simm.s32 $_size_execute0_lowered;
	s4 =	sadd.s32 s4, s6;
	[dreg:$0x0] =	wrdreg $0x0  }
0xb7: {  	s6 =	sshll.u32 s28, $0x1;
	[dreg:$0x2] =	wrdreg s4  }
0xb8: {  	[dreg:$0x3] =	wrdreg s6  }
0xb9: {  	[dreg:$0x4] =	wrdreg $0xC0  }
0xba: {  	_ =	task [dreg:s22], $0x5FFFF  }
0xbb: {  	[dreg:$0x1] =	wrdreg $0xFFFFFFFF  }
0xbc: {  	[dreg:$0x0] =	wrdreg $0x60  }
0xbd: {  	[dreg:$0x2] =	wrdreg s18  }
0xbe: {  	[dreg:$0x3] =	wrdreg s24  }
0xbf: {  	[dreg:$0x4] =	wrdreg $0xBF000  }
0xc0: {  	[dreg:$0x5] =	wrdreg $0xA  }
0xc1: {  	_ =	task.clear_ibuf [dreg:s22], $0x6FFFF;
	_ =	strace $0x90000049  }
0xc2: {  	s29 =	simm.s32 $0xA;
	_ =	strace $0x8000004B  }
0xc3: {  	_ =	swait.ge [sflag:s29], $0x1  }
0xc4: {  	[sflag:s29] =	ssyncadd.s32 $0xFFFFFFFF  }
0xc5: {  	_ =	strace $0x9000004B  }
0xc6: {  	_ =	sfence  }
0xc7: {  	s30 =	sld [smem:$0x0];
	_ =	sdelay $0x2  }
0xc8: {  	s31 =	sshll.u32 s1, $0xD;
	s1 =	sshrl.u32 s1, $0x2  }
0xc9: {  	s4 =	sand.u32 $0x4000, s31;
	s1 =	sadd.s32 s1, s30  }
0xca: {  	s0 =	sor.u32 s4, s0;
	s1 =	sshll.u32 s1, $0x11  }
0xcb: {  	s0 =	sor.u32 s1, s0  }
0xcc: {  	s0 =	sadd.s32 $0x8F2B, s0  }
0xcd: {  	[sflag:s0] =	ssyncadd.remote.s32 $0x1  }
0xce: {  	_ =	sfence.sel $0xFFFF  }
0xcf: {  	[dreg:$0x0] =	wrdreg $0xFFFFFFFF;
	(pc) =	sbr.abs _section_cstart, $3  }
0xd0: {  	[dreg:$0x1] =	wrdreg $0xFFFFFFFF  }
0xd1: {  	_ =	task.clear_ibuf [dreg:s22], $0x2FFFF;
	_ =	strace $0x9FFFFFFF  }
0xd2: {  	(tm) =	ssettm $0x7FFFFFFF  }
0xd3: {  	_ =	shalt  }
tec
execute0_lowered:
.L_overlay_start_1:
0x0: {  	(tag) =	ssettag $0x1  }
0x1: {  	s1 =	rddreg [dreg:$0x0]  }
0x2: {  	s6 =	rddreg [dreg:$0x1]  }
0x3: {  	s0 =	srdreg.scid;
	s3 =	rddreg [dreg:$0x2];
	s14 =	simm.s32 $0x2780  }
0x4: {  	s15 =	simm.s32 $0x70;
	s16 =	simm.s32 $0x4F00;
	s17 =	simm.s32 $0x8700  }
0x5: {  	s18 =	simm.s32 $0x1;
	s19 =	simm.s32 $0x2;
	s20 =	simm.s32 $0x27F0  }
0x6: {  	s21 =	simm.s32 $0x3;
	s5 =	sand.u32 $0x1, s0;
	s0 =	stileid.u32  }
0x7: {  	s22 =	simm.s32 $0xE0;
	s23 =	simm.s32 $0x4;
	s24 =	smul.u32 $0x2780, s0  }
0x8: {  	s2 =	sshll.u32 s5, $0x4;
	s8 =	sshll.u32 s0, $0x7;
	s28 =	smul.u32 $0x27800, s5  }
0x9: {  	s5 =	ssub.s32 $0x2, s5;
	s9 =	smul.u32 $0x4F000, s0;
	s31 =	sshll.u32 s0, $0x6  }
0xa: {  	s4 =	sor.u32 s0, s2;
	s2 =	rddreg [dreg:$0x3];
	s8 =	sand.u32 $0x380, s8  }
0xb: {  	s11 =	sshrl.u32 s5, $0x1;
	s7 =	sshrl.u32 s4, $0x3;
	s4 =	simm.s32 $0x0  }
0xc: {  	s29 =	sadd.s32 s24, s6;
	s12 =	sadd.s32 s28, s6;
	s11 =	ssub.s32 s5, s11  }
0xd: {  	s30 =	sshrl.u32 s9, $0x2;
	s7 =	smul.u32 $0x13C00, s7;
	[smem:$0x7FF] =	sst s4  }
0xe: {  	s13 =	sadd.s32 s30, s3;
	s5 =	sadd.s32 $0x27E00, s29;
	s25 =	sadd.s32 $0x4F600, s12  }
.Ltmp0:
0xf: {  	s9 =	smax.u32 s11, $0x1;
	s7 =	sor.u32 s8, s7;
	(pc) =	sbr.rel .LBB2_1-.Ltmp0, $4  }
0x10: {  	s11 =	simm.s32 $0x5;
	s12 =	simm.s32 $0x80;
	s7 =	sshrl.u32 s7, $0x3  }
0x11: {  	_ =	strace $0x8000004A;
	s24 =	sadd.s32 s24, s25;
	s10 =	sadd.s32 s7, s6  }
0x12: {  	s25 =	simm.s32 $0x0;
	s6 =	sor.u32 $0x1C05, s31;
	s7 =	sadd.s32 $0x1E000, s10  }
0x13: {  	s8 =	sadd.s32 $0x3000, s10;
	s10 =	sshrl.u32 s13, $0x3;
	s13 =	simm.s32 $0x400  }
.LBB2_4:
0x14: {  	_ =	swait.ge [sflag:s23], $0x3800  }
0x15: {  	s25 =	sadd.s32 $0x1, s25;
	[sflag:s23] =	ssyncset.done $0x0  }
0x16: {  	p0 =	sne.s32 s25, s9;
	[sflag:s23] =	ssyncadd.s32 $0xFFFFC800  }
.Ltmp1:
0x17: {  	[bflag:$0x0] =	sbarrier.arrive $0xFFFF;
	(pc) =	sbr.rel @!p0 .LBB2_5-.Ltmp1, $4  }
0x18: {  	[hbm:s24], [sflag:s6] =	dma.local [spmem:s10], $0x2780  }
0x19: {  	_ =	swait.ge [sflag:s11], $0x2780  }
0x1a: {  	[sflag:s11] =	ssyncset.done $0x0  }
0x1b: {  	[sflag:s11] =	ssyncadd.s32 $0xFFFFD880  }
.LBB2_1:
0x1c: {  	[spmem:s10], [sflag:s6] =	dma.local [hbm:s5], $0x2780  }
0x1d: {  	_ =	swait.ge [sflag:s11], $0x2780  }
0x1e: {  	[sflag:s11] =	ssyncset.done $0x0  }
0x1f: {  	[sflag:s11] =	ssyncadd.s32 $0xFFFFD880  }
0x20: {  	[tilespmem:s4], [sflag:$0x5] =	stream.strided.gather [hbm4b:s7+s12], $0x2780, s13, s12, $0x38;
	[tilespmem:$0x1FB00] =	vst v63  }
0x21: {  	_ =	swait.ge [sflag:s11], $0x2780  }
0x22: {  	[sflag:s11] =	ssyncset.done $0x0  }
0x23: {  	[sflag:s11] =	ssyncadd.s32 $0xFFFFD880  }
0x24: {  	[tilespmem:s14], [sflag:$0x5] =	stream.strided.gather [hbm4b:s8+s12], $0x2780, s13, s12, $0x38;
	[tilespmem:$0x1FB00] =	vst v63  }
0x25: {  	_ =	swait.ge [sflag:s11], $0x2780  }
0x26: {  	[sflag:s11] =	ssyncset.done $0x0  }
0x27: {  	[sflag:s11] =	ssyncadd.s32 $0xFFFFD880  }
0x28: {  	[bflag:$0x0] =	sbarrier.arrive $0xFFFF  }
0x29: {  	[tilespmem:s16], [sflag:$0x1] =	stream.indirect.gather [hbm4b:s1+s15], $0x80, s4, s15, $0xb8;
	[tilespmem:$0x1FB00] =	vst v63  }
0x2a: {  	_ = 	snop  }
0x2b: {  	[tilespmem:s17], [sflag:$0x2] =	stream.indirect.gather [hbm4b:s1+s15], $0x80, s15, s15, $0xb8;
	[tilespmem:$0x1FB00] =	vst v63  }
0x2c: {  	_ =	swait.ge [sflag:s18], $0x3800  }
0x2d: {  	[sflag:s18] =	ssyncset.done $0x0  }
0x2e: {  	[sflag:s18] =	ssyncadd.s32 $0xFFFFC800  }
0x2f: {  	[spmem:s3] =	stream.indirect.scatter.add.f32 [tilespmem:s16], [sflag:$0x3], $0x80, s14, s15, $0xb8;
	[tilespmem:$0x1FB00] =	vst v63  }
0x30: {  	_ =	swait.ge [sflag:s19], $0x3800  }
0x31: {  	[sflag:s19] =	ssyncset.done $0x0  }
0x32: {  	[sflag:s19] =	ssyncadd.s32 $0xFFFFC800  }
0x33: {  	[spmem:s3] =	stream.indirect.scatter.add.f32 [tilespmem:s17], [sflag:$0x4], $0x80, s20, s15, $0xb8;
	[tilespmem:$0x1FB00] =	vst v63  }
0x34: {  	_ =	swait.ge [sflag:s21], $0x3800  }
0x35: {  	[sflag:s21] =	ssyncset.done $0x0  }
0x36: {  	s26 =	simm.s32 $0xFFFF6980;
	[sflag:s21] =	ssyncadd.s32 $0xFFFFC800  }
0x37: {  	[tilespmem:s16], [sflag:$0x1] =	stream.indirect.gather [hbm4b:s1+s15], $0x80, s22, s15, $0xb8;
	[tilespmem:$0x1FB00] =	vst v63  }
.LBB2_2:
0x38: {  	_ =	swait.ge [sflag:s18], $0x3800  }
0x39: {  	s28 =	sshra.s32 s26, $0x2;
	[sflag:s18] =	ssyncset.done $0x0  }
0x3a: {  	s29 =	sadd.s32 $0x4E00, s28;
	[sflag:s18] =	ssyncadd.s32 $0xFFFFC800  }
0x3b: {  	[spmem:s3] =	stream.indirect.scatter.add.f32 [tilespmem:s16], [sflag:$0x3], $0x80, s29, s15, $0xb8;
	[tilespmem:$0x1FB00] =	vst v63  }
0x3c: {  	_ =	swait.ge [sflag:s23], $0x3800  }
0x3d: {  	[sflag:s23] =	ssyncset.done $0x0  }
0x3e: {  	s30 =	sadd.s32 $0x26F0, s28;
	[sflag:s23] =	ssyncadd.s32 $0xFFFFC800  }
0x3f: {  	[tilespmem:s17], [sflag:$0x2] =	stream.indirect.gather [hbm4b:s1+s15], $0x80, s30, s15, $0xb8;
	[tilespmem:$0x1FB00] =	vst v63  }
0x40: {  	_ =	swait.ge [sflag:s19], $0x3800  }
0x41: {  	p0 =	seq.s32 s26, $0x0;
	[sflag:s19] =	ssyncset.done $0x0  }
.Ltmp2:
0x42: {  	s31 =	sadd.s32 $0x4E70, s28;
	[sflag:s19] =	ssyncadd.s32 $0xFFFFC800;
	(pc) =	sbr.rel @p0 .LBB2_4-.Ltmp2, $4  }
0x43: {  	[spmem:s3] =	stream.indirect.scatter.add.f32 [tilespmem:s17], [sflag:$0x4], $0x80, s31, s15, $0xb8;
	[tilespmem:$0x1FB00] =	vst v63  }
0x44: {  	_ =	swait.ge [sflag:s21], $0x3800  }
0x45: {  	[sflag:s21] =	ssyncset.done $0x0  }
0x46: {  	[sflag:s21] =	ssyncadd.s32 $0xFFFFC800  }
.Ltmp3:
0x47: {  	(pc) =	sbr.rel .LBB2_2-.Ltmp3, $3  }
0x48: {  	_ =	sdelay $0x1  }
0x49: {  	s28 =	sadd.s32 $0x2760, s28;
	s26 =	sadd.s32 $0x380, s26  }
0x4a: {  	[tilespmem:s16], [sflag:$0x1] =	stream.indirect.gather [hbm4b:s1+s15], $0x80, s28, s15, $0xb8;
	[tilespmem:$0x1FB00] =	vst v63  }
.LBB2_5:
0x4b: {  	_ =	sfence.sel $0x180000  }
0x4c: {  	[bflag:$0x0] =	sbarrier.arrive $0xFFFF  }
0x4d: {  	p0 =	sne.s32 s0, $0x0;
	_ =	strace $0x9000004A  }
0x4e: {  	s0 =	sadd.s32 @!p0 $0x100000, s2;
	[bflag:$0x2] =	sbarrier.arrive $0xFFFF  }
0x4f: {  	[sflag:s0] =	ssyncadd.tile.s32 @!p0 $0x1;
	_ =	shalt  }
.Lfunc_end2:
_tile_overlayer_lowered:
.L_overlay_start_2:
0x50: {  	(tag) =	ssettag $0x2  }
0x51: {  	s0 =	rddreg [dreg:$0x0];
	s2 =	stileid.u32  }
0x52: {  	s1 =	rddreg [dreg:$0x1];
	p0 =	sne.s32 s2, $0x0  }
0x53: {  	s3 =	rddreg [dreg:$0x2];
	[bflag:$0x3] =	sbarrier.arrive $0xFFFF;
	s2 =	simm.s32 @!p0 $0x1C05  }
0x54: {  	[timem:s3], [sflag:s2] =	dma.local @!p0 [hbm:s0], s1  }
0x55: {  	s0 =	simm.s32 @!p0 $0x5  }
0x56: {  	_ =	swait.ge @!p0 [sflag:s0], s1  }
0x57: {  	s1 =	ssub.s32 @!p0 $0x0, s1;
	[sflag:s0] =	ssyncset.done @!p0 $0x0  }
0x58: {  	[sflag:s0] =	ssyncadd.s32 @!p0 s1  }
0x59: {  	[bflag:$0x3] =	sbarrier.arrive $0xFFFF  }
0x5a: {  	_ =	shalt  }

// kernel: kernel.14.cloned.1.call-start
scs
__scs_entry_jumppad:
0x0: {  	(pc) =	sbr.rel $0x88, $3  }
0x1: {  	(tag) =	ssettag $0x0;
	lr =	simm.s32 $0x1  }
0x2: {  	[smem:$0x3F99] =	sst lr;
	_ =	strace $0xD0000000  }
0x3: {  	_ = 	snop  }
0x4: {  	_ = 	snop  }
0x5: {  	_ = 	snop  }
0x6: {  	_ = 	snop  }
0x7: {  	_ = 	snop  }
__scs_overlays_trampoline_lowered:
0x8: {  	[smem:$0x3FA8] =	sst s0  }
0x9: {  	[smem:$0x3FA9] =	sst s1  }
0xa: {  	[smem:$0x3FAA] =	sst s2  }
0xb: {  	[smem:$0x3FAB] =	sst s3  }
0xc: {  	[smem:$0x3FAC] =	sst s4  }
0xd: {  	[smem:$0x3FAD] =	sst s5  }
0xe: {  	[smem:$0x3FAE] =	sst s6  }
0xf: {  	[smem:$0x3FAF] =	sst s7  }
0x10: {  	[smem:$0x3FB0] =	sst s8  }
0x11: {  	[smem:$0x3FB1] =	sst s9;
	s0 =	simm.s32 @!p0 $0x0  }
0x12: {  	s1 =	sld [smem:$0x3F97];
	s0 =	simm.s32 @p0 $0x1  }
0x13: {  	[smem:$0x3FB2] =	sst s0;
	s0 =	simm.s32 @!p1 $0x0  }
0x14: {  	s2 =	sld [smem:$0x3F96];
	s0 =	simm.s32 @p1 $0x1  }
0x15: {  	[smem:$0x3FB3] =	sst s0;
	s0 =	simm.s32 @!p2 $0x0  }
0x16: {  	s3 =	sld [smem:$0x3FDB];
	s0 =	simm.s32 @p2 $0x1  }
0x17: {  	s4 =	simm.s32 $0x1BF5;
	[smem:$0x3FB5] =	sst s0  }
0x18: {  	s0 =	sld [smem:$0x3F98];
	_ =	swait.ge [sflag:s4], $0x0  }
0x19: {  	s7 =	sld [smem:$0x3F99]  }
0x1a: {  	s8 =	sadd.s32 $0xFFFFE003, lr  }
0x1b: {  	s9 =	sadd.s32 $0xFFFFFEF7, lr;
	s5 =	simm.s32 $0xFFFFFFFF;
	p2 =	slt.u32 s8, $0xFFFFF086  }
0x1c: {  	p1 =	slt.u32 s9, $0xF7A;
	s5 =	simm.s32 @!p2 $0x0  }
0x1d: {  	s5 =	simm.s32 @p1 $0x1;
	p0 =	seq.s32 s7, s2  }
0x1e: {  	s7 =	smul.u32 @!p0 $0xF7A, s2;
	p2 =	seq.s32 @!p0 s5, $0x0  }
0x1f: {  	s9 =	smul.u32 $0xF7A, s1;
	s8 =	simm.s32 @!p0 $0x1BF5;
	p2 =	por !p2, p0  }
0x20: {  	[sflag:s8] =	ssyncset.s32 @!p0 $0xFFFFF086;
	s6 =	sadd.s32 @!p0 s3, s7;
	s7 =	simm.s32 @!p0 $0x108  }
0x21: {  	s3 =	sadd.s32 s3, s9;
	s6 =	sadd.s32 @!p0 $0x88, s6;
	s7 =	simm.s32 @p2 $0x1082  }
0x22: {  	[simem:s7], [sflag:s8] =	dma.local @!p0 [hbm:s6], $0xF7A  }
0x23: {  	s9 =	sor.u32 $0xD0000000, s2;
	s6 =	simm.s32 $0x108;
	_ =	swait.ge @!p0 [sflag:s8], $0x0  }
0x24: {  	s3 =	sadd.s32 $0x88, s3;
	s6 =	simm.s32 @!p1 $0x1082;
	[sflag:s4] =	ssyncset.s32 $0xFFFFF086  }
0x25: {  	[simem:s6], [sflag:s4] =	dma.local [hbm:s3], $0xF7A  }
0x26: {  	[smem:$0x3F99] =	sst s1;
	(tag) =	ssettag s2;
	_ =	strace s9  }
0x27: {  	s1 =	sld [smem:$0x3FA9]  }
0x28: {  	s2 =	sld [smem:$0x3FAA]  }
0x29: {  	s4 =	sld [smem:$0x3FAC]  }
0x2a: {  	p0 =	seq.s32 s5, $0x0;
	s5 =	sld [smem:$0x3FAD]  }
0x2b: {  	s6 =	sld [smem:$0x3FAE]  }
0x2c: {  	s7 =	sld [smem:$0x3FAF]  }
0x2d: {  	s3 =	simm.s32 $0x108;
	s8 =	sld [smem:$0x3FB0]  }
0x2e: {  	s3 =	simm.s32 @!p0 $0x1082;
	s9 =	sld [smem:$0x3FB1]  }
0x2f: {  	lr =	sadd.s32 s0, s3;
	s0 =	sld [smem:$0x3FA8]  }
0x30: {  	s3 =	sld [smem:$0x3FAB]  }
0x31: {  	[smem:$0x3FB4] =	sst s10  }
0x32: {  	s10 =	sld [smem:$0x3FB2];
	_ =	sdelay $0x3  }
0x33: {  	p0 =	seq.s32 s10, $0x1;
	s10 =	sld [smem:$0x3FB4];
	_ =	sdelay $0x3  }
0x34: {  	[smem:$0x3FB4] =	sst s10  }
0x35: {  	s10 =	sld [smem:$0x3FB3];
	_ =	sdelay $0x3  }
0x36: {  	p1 =	seq.s32 s10, $0x1;
	s10 =	sld [smem:$0x3FB4];
	_ =	sdelay $0x3  }
0x37: {  	[smem:$0x3FB4] =	sst s10  }
0x38: {  	s10 =	sld [smem:$0x3FB5]  }
0x39: {  	_ = 	snop;
	(pc) =	sbr.ind lr, $3  }
0x3a: {  	_ = 	snop  }
0x3b: {  	_ = 	snop  }
0x3c: {  	p2 =	seq.s32 s10, $0x1;
	s10 =	sld [smem:$0x3FB4]  }
0x3d: {  	_ =	shalt  }
0x3e: {  	_ =	shalt  }
0x3f: {  	_ =	shalt  }
0x40: {  	_ =	shalt  }
0x41: {  	_ =	shalt  }
0x42: {  	_ =	shalt  }
0x43: {  	_ =	shalt  }
0x44: {  	_ =	shalt  }
0x45: {  	_ =	shalt  }
0x46: {  	_ =	shalt  }
0x47: {  	_ =	shalt  }
0x48: {  	_ =	shalt  }
0x49: {  	_ =	shalt  }
0x4a: {  	_ =	shalt  }
0x4b: {  	_ =	shalt  }
0x4c: {  	_ =	shalt  }
0x4d: {  	_ =	shalt  }
0x4e: {  	_ =	shalt  }
0x4f: {  	_ =	shalt  }
0x50: {  	_ =	shalt  }
0x51: {  	_ =	shalt  }
0x52: {  	_ =	shalt  }
0x53: {  	_ =	shalt  }
0x54: {  	_ =	shalt  }
0x55: {  	_ =	shalt  }
0x56: {  	_ =	shalt  }
0x57: {  	_ =	shalt  }
0x58: {  	_ =	shalt  }
0x59: {  	_ =	shalt  }
0x5a: {  	_ =	shalt  }
0x5b: {  	_ =	shalt  }
0x5c: {  	_ =	shalt  }
0x5d: {  	_ =	shalt  }
0x5e: {  	_ =	shalt  }
0x5f: {  	_ =	shalt  }
0x60: {  	_ =	shalt  }
0x61: {  	_ =	shalt  }
0x62: {  	_ =	shalt  }
0x63: {  	_ =	shalt  }
0x64: {  	_ =	shalt  }
0x65: {  	_ =	shalt  }
0x66: {  	_ =	shalt  }
0x67: {  	_ =	shalt  }
0x68: {  	_ =	shalt  }
0x69: {  	_ =	shalt  }
0x6a: {  	_ =	shalt  }
0x6b: {  	_ =	shalt  }
0x6c: {  	_ =	shalt  }
0x6d: {  	_ =	shalt  }
0x6e: {  	_ =	shalt  }
0x6f: {  	_ =	shalt  }
0x70: {  	_ =	shalt  }
0x71: {  	_ =	shalt  }
0x72: {  	_ =	shalt  }
0x73: {  	_ =	shalt  }
0x74: {  	_ =	shalt  }
0x75: {  	_ =	shalt  }
0x76: {  	_ =	shalt  }
0x77: {  	_ =	shalt  }
0x78: {  	_ =	shalt  }
0x79: {  	_ =	shalt  }
0x7a: {  	_ =	shalt  }
0x7b: {  	_ =	shalt  }
0x7c: {  	_ =	shalt  }
0x7d: {  	_ =	shalt  }
0x7e: {  	_ =	shalt  }
0x7f: {  	_ =	shalt  }
0x80: {  	_ =	shalt  }
0x81: {  	_ =	shalt  }
0x82: {  	_ =	shalt  }
0x83: {  	_ =	shalt  }
0x84: {  	_ =	shalt  }
0x85: {  	_ =	shalt  }
0x86: {  	_ =	shalt  }
0x87: {  	_ =	shalt  }
.Lfunc_end0:
.L_simem_size_0:
called_computation.2_lowered:
.L_overlay_start_0:
0x88: {  	s2 =	sld [smem:$0x3FD9]  }
0x89: {  	s3 =	sld [smem:$0x3FFE];
	_ =	sdelay $0x1  }
0x8a: {  	s1 =	srdreg.scid  }
0x8b: {  	s0 =	sand.u32 $0x1, s1  }
0x8c: {  	s17 =	sshll.u32 s0, $0xA;
	s2 =	sadd.s32 s3, s2  }
0x8d: {  	s2 =	sadd.s32 s2, s17  }
0x8e: {  	[smem:$0x3FC0] =	sst s2  }
0x8f: {  	_ = 	snop  }
0x90: {  	s2 =	sld [smem:$0x3FD0];
	(tm) =	ssettm $0x1  }
0x91: {  	s18 =	sld [smem:$0x3FFB];
	_ =	sdelay $0x3  }
0x92: {  	_ =	strace s18  }
0x93: {  	s3 =	sld [smem:$0x3FFC];
	_ =	sdelay $0x3  }
0x94: {  	_ =	strace s3  }
0x95: {  	s3 =	sld [smem:$0x3FFD];
	_ =	sdelay $0x3  }
0x96: {  	_ =	strace s3  }
0x97: {  	_ =	strace $0x8FFFFFFF  }
0x98: {  	s19 =	sld [smem:$0x3FDB];
	_ =	sdelay $0x1  }
0x99: {  	s4 =	simm.s32 $_scs_section_size  }
0x9a: {  	s5 =	simm.s32 $_size__tile_overlayer_lowered;
	s6 =	simm.s32 $_tile_overlayer_lowered  }
0x9b: {  	s22 =	simm.s32 $0x1BFF;
	s21 =	sshll.u32 s6, $0x1;
	s3 =	sadd.s32 s4, s19  }
0x9c: {  	s7 =	simm.s32 $0x0;
	s20 =	sshll.u32 s5, $0x1;
	s5 =	sadd.s32 s21, s3  }
0x9d: {  	[timem:s7], [sflag:s22] =	dma.local [hbm:s5], s20  }
0x9e: {  	_ =	swait.ge [sflag:s22], s20  }
0x9f: {  	s4 =	ssub.s32 $0x0, s20;
	[sflag:s22] =	ssyncset.done $0x0  }
0xa0: {  	[sflag:s22] =	ssyncadd.s32 s4;
	_ =	sdelay $0x1  }
0xa1: {  	s23 =	simm.s32 $0x1B8B  }
0xa2: {  	_ =	swait.ge [sflag:s23], $0x1  }
0xa3: {  	[sflag:s23] =	ssyncset.done $0x0  }
0xa4: {  	s25 =	simm.s32 $0x1B8E;
	s24 =	sld [smem:$0x3FFE];
	[sflag:s23] =	ssyncadd.s32 $0xFFFFFFFF  }
0xa5: {  	s26 =	simm.s32 $execute0_lowered;
	[smem:$0x3FD2] =	sst s25  }
0xa6: {  	s5 =	sshll.u32 s26, $0x1;
	_ =	strace $0x8000004C;
	[dreg:$0x1] =	wrdreg $0xFFFFFFFF  }
0xa7: {  	s28 =	simm.s32 $_size_execute0_lowered;
	s3 =	sadd.s32 s3, s5;
	[dreg:$0x0] =	wrdreg $0x0  }
0xa8: {  	s5 =	sshll.u32 s28, $0x1;
	[dreg:$0x2] =	wrdreg s3  }
0xa9: {  	[dreg:$0x3] =	wrdreg s5  }
0xaa: {  	[dreg:$0x4] =	wrdreg $0xC0  }
0xab: {  	_ =	task [dreg:s7], $0x5FFFF  }
0xac: {  	[dreg:$0x1] =	wrdreg $0xFFFFFFFF  }
0xad: {  	[dreg:$0x0] =	wrdreg $0x60  }
0xae: {  	[dreg:$0x2] =	wrdreg s2  }
0xaf: {  	[dreg:$0x3] =	wrdreg s24  }
0xb0: {  	[dreg:$0x4] =	wrdreg $0xBF000  }
0xb1: {  	[dreg:$0x5] =	wrdreg $0x9  }
0xb2: {  	_ =	task.clear_ibuf [dreg:s7], $0x6FFFF;
	_ =	strace $0x9000004C  }
0xb3: {  	s29 =	simm.s32 $0x9;
	_ =	strace $0x8000004E  }
0xb4: {  	_ =	swait.ge [sflag:s29], $0x1  }
0xb5: {  	[sflag:s29] =	ssyncadd.s32 $0xFFFFFFFF  }
0xb6: {  	_ =	strace $0x9000004E  }
0xb7: {  	_ =	sfence  }
0xb8: {  	s30 =	sld [smem:$0x0];
	_ =	sdelay $0x2  }
0xb9: {  	s31 =	sshll.u32 s1, $0xD;
	s1 =	sshrl.u32 s1, $0x2  }
0xba: {  	s3 =	sand.u32 $0x4000, s31;
	s1 =	sadd.s32 s1, s30  }
0xbb: {  	s0 =	sor.u32 s3, s0;
	s1 =	sshll.u32 s1, $0x11  }
0xbc: {  	s0 =	sor.u32 s1, s0  }
0xbd: {  	s0 =	sadd.s32 $0x8F2B, s0  }
0xbe: {  	[sflag:s0] =	ssyncadd.remote.s32 $0x1  }
0xbf: {  	_ =	sfence.sel $0xFFFF  }
0xc0: {  	[dreg:$0x0] =	wrdreg $0xFFFFFFFF;
	(pc) =	sbr.abs _section_cstart, $3  }
0xc1: {  	[dreg:$0x1] =	wrdreg $0xFFFFFFFF  }
0xc2: {  	_ =	task.clear_ibuf [dreg:s7], $0x2FFFF;
	_ =	strace $0x9FFFFFFF  }
0xc3: {  	(tm) =	ssettm $0x7FFFFFFF  }
tec
execute0_lowered:
.L_overlay_start_1:
0x0: {  	(tag) =	ssettag $0x1  }
0x1: {  	s1 =	rddreg [dreg:$0x0]  }
0x2: {  	s6 =	rddreg [dreg:$0x1]  }
0x3: {  	s0 =	srdreg.scid;
	s3 =	rddreg [dreg:$0x2];
	s14 =	simm.s32 $0x2780  }
0x4: {  	s15 =	simm.s32 $0x70;
	s16 =	simm.s32 $0x4F00;
	s17 =	simm.s32 $0x8700  }
0x5: {  	s18 =	simm.s32 $0x1;
	s19 =	simm.s32 $0x2;
	s20 =	simm.s32 $0x27F0  }
0x6: {  	s21 =	simm.s32 $0x3;
	s5 =	sand.u32 $0x1, s0;
	s0 =	stileid.u32  }
0x7: {  	s22 =	simm.s32 $0xE0;
	s23 =	simm.s32 $0x4;
	s24 =	smul.u32 $0x2780, s0  }
0x8: {  	s2 =	sshll.u32 s5, $0x4;
	s8 =	sshll.u32 s0, $0x7;
	s28 =	smul.u32 $0x27800, s5  }
0x9: {  	s5 =	ssub.s32 $0x2, s5;
	s9 =	smul.u32 $0x4F000, s0;
	s31 =	sshll.u32 s0, $0x6  }
0xa: {  	s4 =	sor.u32 s0, s2;
	s2 =	rddreg [dreg:$0x3];
	s8 =	sand.u32 $0x380, s8  }
0xb: {  	s11 =	sshrl.u32 s5, $0x1;
	s7 =	sshrl.u32 s4, $0x3;
	s4 =	simm.s32 $0x0  }
0xc: {  	s29 =	sadd.s32 s24, s6;
	s12 =	sadd.s32 s28, s6;
	s11 =	ssub.s32 s5, s11  }
0xd: {  	s30 =	sshrl.u32 s9, $0x2;
	s7 =	smul.u32 $0x13C00, s7;
	[smem:$0x7FF] =	sst s4  }
0xe: {  	s13 =	sadd.s32 s30, s3;
	s5 =	sadd.s32 $0x27E00, s29;
	s25 =	sadd.s32 $0x4F600, s12  }
.Ltmp0:
0xf: {  	s9 =	smax.u32 s11, $0x1;
	s7 =	sor.u32 s8, s7;
	(pc) =	sbr.rel .LBB2_1-.Ltmp0, $4  }
0x10: {  	s11 =	simm.s32 $0x5;
	s12 =	simm.s32 $0x80;
	s7 =	sshrl.u32 s7, $0x3  }
0x11: {  	_ =	strace $0x8000004D;
	s24 =	sadd.s32 s24, s25;
	s10 =	sadd.s32 s7, s6  }
0x12: {  	s25 =	simm.s32 $0x0;
	s6 =	sor.u32 $0x1C05, s31;
	s7 =	sadd.s32 $0x1E000, s10  }
0x13: {  	s8 =	sadd.s32 $0x3000, s10;
	s10 =	sshrl.u32 s13, $0x3;
	s13 =	simm.s32 $0x400  }
.LBB2_4:
0x14: {  	_ =	swait.ge [sflag:s23], $0x3800  }
0x15: {  	s25 =	sadd.s32 $0x1, s25;
	[sflag:s23] =	ssyncset.done $0x0  }
0x16: {  	p0 =	sne.s32 s25, s9;
	[sflag:s23] =	ssyncadd.s32 $0xFFFFC800  }
.Ltmp1:
0x17: {  	[bflag:$0x0] =	sbarrier.arrive $0xFFFF;
	(pc) =	sbr.rel @!p0 .LBB2_5-.Ltmp1, $4  }
0x18: {  	[hbm:s24], [sflag:s6] =	dma.local [spmem:s10], $0x2780  }
0x19: {  	_ =	swait.ge [sflag:s11], $0x2780  }
0x1a: {  	[sflag:s11] =	ssyncset.done $0x0  }
0x1b: {  	[sflag:s11] =	ssyncadd.s32 $0xFFFFD880  }
.LBB2_1:
0x1c: {  	[spmem:s10], [sflag:s6] =	dma.local [hbm:s5], $0x2780  }
0x1d: {  	_ =	swait.ge [sflag:s11], $0x2780  }
0x1e: {  	[sflag:s11] =	ssyncset.done $0x0  }
0x1f: {  	[sflag:s11] =	ssyncadd.s32 $0xFFFFD880  }
0x20: {  	[tilespmem:s4], [sflag:$0x5] =	stream.strided.gather [hbm4b:s7+s12], $0x2780, s13, s12, $0x38;
	[tilespmem:$0x1FB00] =	vst v63  }
0x21: {  	_ =	swait.ge [sflag:s11], $0x2780  }
0x22: {  	[sflag:s11] =	ssyncset.done $0x0  }
0x23: {  	[sflag:s11] =	ssyncadd.s32 $0xFFFFD880  }
0x24: {  	[tilespmem:s14], [sflag:$0x5] =	stream.strided.gather [hbm4b:s8+s12], $0x2780, s13, s12, $0x38;
	[tilespmem:$0x1FB00] =	vst v63  }
0x25: {  	_ =	swait.ge [sflag:s11], $0x2780  }
0x26: {  	[sflag:s11] =	ssyncset.done $0x0  }
0x27: {  	[sflag:s11] =	ssyncadd.s32 $0xFFFFD880  }
0x28: {  	[bflag:$0x0] =	sbarrier.arrive $0xFFFF  }
0x29: {  	[tilespmem:s16], [sflag:$0x1] =	stream.indirect.gather [hbm4b:s1+s15], $0x80, s4, s15, $0xb8;
	[tilespmem:$0x1FB00] =	vst v63  }
0x2a: {  	_ = 	snop  }
0x2b: {  	[tilespmem:s17], [sflag:$0x2] =	stream.indirect.gather [hbm4b:s1+s15], $0x80, s15, s15, $0xb8;
	[tilespmem:$0x1FB00] =	vst v63  }
0x2c: {  	_ =	swait.ge [sflag:s18], $0x3800  }
0x2d: {  	[sflag:s18] =	ssyncset.done $0x0  }
0x2e: {  	[sflag:s18] =	ssyncadd.s32 $0xFFFFC800  }
0x2f: {  	[spmem:s3] =	stream.indirect.scatter.add.f32 [tilespmem:s16], [sflag:$0x3], $0x80, s14, s15, $0xb8;
	[tilespmem:$0x1FB00] =	vst v63  }
0x30: {  	_ =	swait.ge [sflag:s19], $0x3800  }
0x31: {  	[sflag:s19] =	ssyncset.done $0x0  }
0x32: {  	[sflag:s19] =	ssyncadd.s32 $0xFFFFC800  }
0x33: {  	[spmem:s3] =	stream.indirect.scatter.add.f32 [tilespmem:s17], [sflag:$0x4], $0x80, s20, s15, $0xb8;
	[tilespmem:$0x1FB00] =	vst v63  }
0x34: {  	_ =	swait.ge [sflag:s21], $0x3800  }
0x35: {  	[sflag:s21] =	ssyncset.done $0x0  }
0x36: {  	s26 =	simm.s32 $0xFFFF6980;
	[sflag:s21] =	ssyncadd.s32 $0xFFFFC800  }
0x37: {  	[tilespmem:s16], [sflag:$0x1] =	stream.indirect.gather [hbm4b:s1+s15], $0x80, s22, s15, $0xb8;
	[tilespmem:$0x1FB00] =	vst v63  }
.LBB2_2:
0x38: {  	_ =	swait.ge [sflag:s18], $0x3800  }
0x39: {  	s28 =	sshra.s32 s26, $0x2;
	[sflag:s18] =	ssyncset.done $0x0  }
0x3a: {  	s29 =	sadd.s32 $0x4E00, s28;
	[sflag:s18] =	ssyncadd.s32 $0xFFFFC800  }
0x3b: {  	[spmem:s3] =	stream.indirect.scatter.add.f32 [tilespmem:s16], [sflag:$0x3], $0x80, s29, s15, $0xb8;
	[tilespmem:$0x1FB00] =	vst v63  }
0x3c: {  	_ =	swait.ge [sflag:s23], $0x3800  }
0x3d: {  	[sflag:s23] =	ssyncset.done $0x0  }
0x3e: {  	s30 =	sadd.s32 $0x26F0, s28;
	[sflag:s23] =	ssyncadd.s32 $0xFFFFC800  }
0x3f: {  	[tilespmem:s17], [sflag:$0x2] =	stream.indirect.gather [hbm4b:s1+s15], $0x80, s30, s15, $0xb8;
	[tilespmem:$0x1FB00] =	vst v63  }
0x40: {  	_ =	swait.ge [sflag:s19], $0x3800  }
0x41: {  	p0 =	seq.s32 s26, $0x0;
	[sflag:s19] =	ssyncset.done $0x0  }
.Ltmp2:
0x42: {  	s31 =	sadd.s32 $0x4E70, s28;
	[sflag:s19] =	ssyncadd.s32 $0xFFFFC800;
	(pc) =	sbr.rel @p0 .LBB2_4-.Ltmp2, $4  }
0x43: {  	[spmem:s3] =	stream.indirect.scatter.add.f32 [tilespmem:s17], [sflag:$0x4], $0x80, s31, s15, $0xb8;
	[tilespmem:$0x1FB00] =	vst v63  }
0x44: {  	_ =	swait.ge [sflag:s21], $0x3800  }
0x45: {  	[sflag:s21] =	ssyncset.done $0x0  }
0x46: {  	[sflag:s21] =	ssyncadd.s32 $0xFFFFC800  }
.Ltmp3:
0x47: {  	(pc) =	sbr.rel .LBB2_2-.Ltmp3, $3  }
0x48: {  	_ =	sdelay $0x1  }
0x49: {  	s28 =	sadd.s32 $0x2760, s28;
	s26 =	sadd.s32 $0x380, s26  }
0x4a: {  	[tilespmem:s16], [sflag:$0x1] =	stream.indirect.gather [hbm4b:s1+s15], $0x80, s28, s15, $0xb8;
	[tilespmem:$0x1FB00] =	vst v63  }
.LBB2_5:
0x4b: {  	_ =	sfence.sel $0x180000  }
0x4c: {  	[bflag:$0x0] =	sbarrier.arrive $0xFFFF  }
0x4d: {  	p0 =	sne.s32 s0, $0x0;
	_ =	strace $0x9000004D  }
0x4e: {  	s0 =	sadd.s32 @!p0 $0x100000, s2;
	[bflag:$0x2] =	sbarrier.arrive $0xFFFF  }
0x4f: {  	[sflag:s0] =	ssyncadd.tile.s32 @!p0 $0x1;
	_ =	shalt  }
.Lfunc_end2:
_tile_overlayer_lowered:
.L_overlay_start_2:
0x50: {  	(tag) =	ssettag $0x2  }
0x51: {  	s0 =	rddreg [dreg:$0x0];
	s2 =	stileid.u32  }
0x52: {  	s1 =	rddreg [dreg:$0x1];
	p0 =	sne.s32 s2, $0x0  }
0x53: {  	s3 =	rddreg [dreg:$0x2];
	[bflag:$0x3] =	sbarrier.arrive $0xFFFF;
	s2 =	simm.s32 @!p0 $0x1C05  }
0x54: {  	[timem:s3], [sflag:s2] =	dma.local @!p0 [hbm:s0], s1  }
0x55: {  	s0 =	simm.s32 @!p0 $0x5  }
0x56: {  	_ =	swait.ge @!p0 [sflag:s0], s1  }
0x57: {  	s1 =	ssub.s32 @!p0 $0x0, s1;
	[sflag:s0] =	ssyncset.done @!p0 $0x0  }
0x58: {  	[sflag:s0] =	ssyncadd.s32 @!p0 s1  }
0x59: {  	[bflag:$0x3] =	sbarrier.arrive $0xFFFF  }
0x5a: {  	_ =	shalt  }

// kernel: kernel.8.cloned.1.call-start
scs
__scs_entry_jumppad:
0x0: {  	(pc) =	sbr.rel $0x88, $3  }
0x1: {  	(tag) =	ssettag $0x0;
	lr =	simm.s32 $0x1  }
0x2: {  	[smem:$0x3F99] =	sst lr;
	_ =	strace $0xD0000000  }
0x3: {  	_ = 	snop  }
0x4: {  	_ = 	snop  }
0x5: {  	_ = 	snop  }
0x6: {  	_ = 	snop  }
0x7: {  	_ = 	snop  }
__scs_overlays_trampoline_lowered:
0x8: {  	[smem:$0x3FA8] =	sst s0  }
0x9: {  	[smem:$0x3FA9] =	sst s1  }
0xa: {  	[smem:$0x3FAA] =	sst s2  }
0xb: {  	[smem:$0x3FAB] =	sst s3  }
0xc: {  	[smem:$0x3FAC] =	sst s4  }
0xd: {  	[smem:$0x3FAD] =	sst s5  }
0xe: {  	[smem:$0x3FAE] =	sst s6  }
0xf: {  	[smem:$0x3FAF] =	sst s7  }
0x10: {  	[smem:$0x3FB0] =	sst s8  }
0x11: {  	[smem:$0x3FB1] =	sst s9;
	s0 =	simm.s32 @!p0 $0x0  }
0x12: {  	s1 =	sld [smem:$0x3F97];
	s0 =	simm.s32 @p0 $0x1  }
0x13: {  	[smem:$0x3FB2] =	sst s0;
	s0 =	simm.s32 @!p1 $0x0  }
0x14: {  	s2 =	sld [smem:$0x3F96];
	s0 =	simm.s32 @p1 $0x1  }
0x15: {  	[smem:$0x3FB3] =	sst s0;
	s0 =	simm.s32 @!p2 $0x0  }
0x16: {  	s3 =	sld [smem:$0x3FDB];
	s0 =	simm.s32 @p2 $0x1  }
0x17: {  	s4 =	simm.s32 $0x1BF5;
	[smem:$0x3FB5] =	sst s0  }
0x18: {  	s0 =	sld [smem:$0x3F98];
	_ =	swait.ge [sflag:s4], $0x0  }
0x19: {  	s7 =	sld [smem:$0x3F99]  }
0x1a: {  	s8 =	sadd.s32 $0xFFFFE003, lr  }
0x1b: {  	s9 =	sadd.s32 $0xFFFFFEF7, lr;
	s5 =	simm.s32 $0xFFFFFFFF;
	p2 =	slt.u32 s8, $0xFFFFF086  }
0x1c: {  	p1 =	slt.u32 s9, $0xF7A;
	s5 =	simm.s32 @!p2 $0x0  }
0x1d: {  	s5 =	simm.s32 @p1 $0x1;
	p0 =	seq.s32 s7, s2  }
0x1e: {  	s7 =	smul.u32 @!p0 $0xF7A, s2;
	p2 =	seq.s32 @!p0 s5, $0x0  }
0x1f: {  	s9 =	smul.u32 $0xF7A, s1;
	s8 =	simm.s32 @!p0 $0x1BF5;
	p2 =	por !p2, p0  }
0x20: {  	[sflag:s8] =	ssyncset.s32 @!p0 $0xFFFFF086;
	s6 =	sadd.s32 @!p0 s3, s7;
	s7 =	simm.s32 @!p0 $0x108  }
0x21: {  	s3 =	sadd.s32 s3, s9;
	s6 =	sadd.s32 @!p0 $0x88, s6;
	s7 =	simm.s32 @p2 $0x1082  }
0x22: {  	[simem:s7], [sflag:s8] =	dma.local @!p0 [hbm:s6], $0xF7A  }
0x23: {  	s9 =	sor.u32 $0xD0000000, s2;
	s6 =	simm.s32 $0x108;
	_ =	swait.ge @!p0 [sflag:s8], $0x0  }
0x24: {  	s3 =	sadd.s32 $0x88, s3;
	s6 =	simm.s32 @!p1 $0x1082;
	[sflag:s4] =	ssyncset.s32 $0xFFFFF086  }
0x25: {  	[simem:s6], [sflag:s4] =	dma.local [hbm:s3], $0xF7A  }
0x26: {  	[smem:$0x3F99] =	sst s1;
	(tag) =	ssettag s2;
	_ =	strace s9  }
0x27: {  	s1 =	sld [smem:$0x3FA9]  }
0x28: {  	s2 =	sld [smem:$0x3FAA]  }
0x29: {  	s4 =	sld [smem:$0x3FAC]  }
0x2a: {  	p0 =	seq.s32 s5, $0x0;
	s5 =	sld [smem:$0x3FAD]  }
0x2b: {  	s6 =	sld [smem:$0x3FAE]  }
0x2c: {  	s7 =	sld [smem:$0x3FAF]  }
0x2d: {  	s3 =	simm.s32 $0x108;
	s8 =	sld [smem:$0x3FB0]  }
0x2e: {  	s3 =	simm.s32 @!p0 $0x1082;
	s9 =	sld [smem:$0x3FB1]  }
0x2f: {  	lr =	sadd.s32 s0, s3;
	s0 =	sld [smem:$0x3FA8]  }
0x30: {  	s3 =	sld [smem:$0x3FAB]  }
0x31: {  	[smem:$0x3FB4] =	sst s10  }
0x32: {  	s10 =	sld [smem:$0x3FB2];
	_ =	sdelay $0x3  }
0x33: {  	p0 =	seq.s32 s10, $0x1;
	s10 =	sld [smem:$0x3FB4];
	_ =	sdelay $0x3  }
0x34: {  	[smem:$0x3FB4] =	sst s10  }
0x35: {  	s10 =	sld [smem:$0x3FB3];
	_ =	sdelay $0x3  }
0x36: {  	p1 =	seq.s32 s10, $0x1;
	s10 =	sld [smem:$0x3FB4];
	_ =	sdelay $0x3  }
0x37: {  	[smem:$0x3FB4] =	sst s10  }
0x38: {  	s10 =	sld [smem:$0x3FB5]  }
0x39: {  	_ = 	snop;
	(pc) =	sbr.ind lr, $3  }
0x3a: {  	_ = 	snop  }
0x3b: {  	_ = 	snop  }
0x3c: {  	p2 =	seq.s32 s10, $0x1;
	s10 =	sld [smem:$0x3FB4]  }
0x3d: {  	_ =	shalt  }
0x3e: {  	_ =	shalt  }
0x3f: {  	_ =	shalt  }
0x40: {  	_ =	shalt  }
0x41: {  	_ =	shalt  }
0x42: {  	_ =	shalt  }
0x43: {  	_ =	shalt  }
0x44: {  	_ =	shalt  }
0x45: {  	_ =	shalt  }
0x46: {  	_ =	shalt  }
0x47: {  	_ =	shalt  }
0x48: {  	_ =	shalt  }
0x49: {  	_ =	shalt  }
0x4a: {  	_ =	shalt  }
0x4b: {  	_ =	shalt  }
0x4c: {  	_ =	shalt  }
0x4d: {  	_ =	shalt  }
0x4e: {  	_ =	shalt  }
0x4f: {  	_ =	shalt  }
0x50: {  	_ =	shalt  }
0x51: {  	_ =	shalt  }
0x52: {  	_ =	shalt  }
0x53: {  	_ =	shalt  }
0x54: {  	_ =	shalt  }
0x55: {  	_ =	shalt  }
0x56: {  	_ =	shalt  }
0x57: {  	_ =	shalt  }
0x58: {  	_ =	shalt  }
0x59: {  	_ =	shalt  }
0x5a: {  	_ =	shalt  }
0x5b: {  	_ =	shalt  }
0x5c: {  	_ =	shalt  }
0x5d: {  	_ =	shalt  }
0x5e: {  	_ =	shalt  }
0x5f: {  	_ =	shalt  }
0x60: {  	_ =	shalt  }
0x61: {  	_ =	shalt  }
0x62: {  	_ =	shalt  }
0x63: {  	_ =	shalt  }
0x64: {  	_ =	shalt  }
0x65: {  	_ =	shalt  }
0x66: {  	_ =	shalt  }
0x67: {  	_ =	shalt  }
0x68: {  	_ =	shalt  }
0x69: {  	_ =	shalt  }
0x6a: {  	_ =	shalt  }
0x6b: {  	_ =	shalt  }
0x6c: {  	_ =	shalt  }
0x6d: {  	_ =	shalt  }
0x6e: {  	_ =	shalt  }
0x6f: {  	_ =	shalt  }
0x70: {  	_ =	shalt  }
0x71: {  	_ =	shalt  }
0x72: {  	_ =	shalt  }
0x73: {  	_ =	shalt  }
0x74: {  	_ =	shalt  }
0x75: {  	_ =	shalt  }
0x76: {  	_ =	shalt  }
0x77: {  	_ =	shalt  }
0x78: {  	_ =	shalt  }
0x79: {  	_ =	shalt  }
0x7a: {  	_ =	shalt  }
0x7b: {  	_ =	shalt  }
0x7c: {  	_ =	shalt  }
0x7d: {  	_ =	shalt  }
0x7e: {  	_ =	shalt  }
0x7f: {  	_ =	shalt  }
0x80: {  	_ =	shalt  }
0x81: {  	_ =	shalt  }
0x82: {  	_ =	shalt  }
0x83: {  	_ =	shalt  }
0x84: {  	_ =	shalt  }
0x85: {  	_ =	shalt  }
0x86: {  	_ =	shalt  }
0x87: {  	_ =	shalt  }
.Lfunc_end0:
.L_simem_size_0:
called_computation_lowered:
.L_overlay_start_0:
0x88: {  	s2 =	sld [smem:$0x3FD9]  }
0x89: {  	s3 =	sld [smem:$0x3FFE];
	_ =	sdelay $0x1  }
0x8a: {  	s1 =	srdreg.scid  }
0x8b: {  	s0 =	sand.u32 $0x1, s1  }
0x8c: {  	s16 =	sshll.u32 s0, $0xA;
	s2 =	sadd.s32 s3, s2  }
0x8d: {  	s2 =	sadd.s32 s2, s16  }
0x8e: {  	[smem:$0x3FC0] =	sst s2  }
0x8f: {  	_ = 	snop  }
0x90: {  	(tm) =	ssettm $0x1  }
0x91: {  	s17 =	sld [smem:$0x3FFB];
	_ =	sdelay $0x3  }
0x92: {  	_ =	strace s17  }
0x93: {  	s2 =	sld [smem:$0x3FFC];
	_ =	sdelay $0x3  }
0x94: {  	_ =	strace s2  }
0x95: {  	s2 =	sld [smem:$0x3FFD];
	_ =	sdelay $0x3  }
0x96: {  	_ =	strace s2  }
0x97: {  	_ =	strace $0x8FFFFFFF  }
0x98: {  	s18 =	sld [smem:$0x3FDB];
	_ =	sdelay $0x1  }
0x99: {  	s19 =	simm.s32 $_scs_section_size  }
0x9a: {  	s4 =	simm.s32 $_size__tile_overlayer_lowered;
	s5 =	simm.s32 $_tile_overlayer_lowered  }
0x9b: {  	s22 =	simm.s32 $0x1BFF;
	s21 =	sshll.u32 s5, $0x1;
	s2 =	sadd.s32 s19, s18  }
0x9c: {  	s6 =	simm.s32 $0x0;
	s20 =	sshll.u32 s4, $0x1;
	s4 =	sadd.s32 s21, s2  }
0x9d: {  	[timem:s6], [sflag:s22] =	dma.local [hbm:s4], s20  }
0x9e: {  	_ =	swait.ge [sflag:s22], s20  }
0x9f: {  	s3 =	ssub.s32 $0x0, s20;
	[sflag:s22] =	ssyncset.done $0x0  }
0xa0: {  	[sflag:s22] =	ssyncadd.s32 s3;
	_ =	sdelay $0x1  }
0xa1: {  	s23 =	simm.s32 $0x1B8B  }
0xa2: {  	_ =	swait.ge [sflag:s23], $0x1  }
0xa3: {  	[sflag:s23] =	ssyncset.done $0x0  }
0xa4: {  	s25 =	simm.s32 $0x1B8E;
	s24 =	sld [smem:$0x3FFE];
	[sflag:s23] =	ssyncadd.s32 $0xFFFFFFFF  }
0xa5: {  	s26 =	simm.s32 $execute0_lowered;
	[smem:$0x3FD2] =	sst s25  }
0xa6: {  	s4 =	sshll.u32 s26, $0x1;
	_ =	strace $0x80000046;
	[dreg:$0x1] =	wrdreg $0xFFFFFFFF  }
0xa7: {  	s28 =	simm.s32 $_size_execute0_lowered;
	s2 =	sadd.s32 s2, s4;
	[dreg:$0x0] =	wrdreg $0x0  }
0xa8: {  	s4 =	sshll.u32 s28, $0x1;
	[dreg:$0x2] =	wrdreg s2  }
0xa9: {  	[dreg:$0x3] =	wrdreg s4  }
0xaa: {  	[dreg:$0x4] =	wrdreg $0xC0  }
0xab: {  	_ =	task [dreg:s6], $0x5FFFF  }
0xac: {  	[dreg:$0x1] =	wrdreg $0xFFFFFFFF  }
0xad: {  	[dreg:$0x0] =	wrdreg $0x60  }
0xae: {  	[dreg:$0x2] =	wrdreg s24  }
0xaf: {  	[dreg:$0x3] =	wrdreg $0x5B000  }
0xb0: {  	[dreg:$0x4] =	wrdreg $0x9  }
0xb1: {  	_ =	task.clear_ibuf [dreg:s6], $0x5FFFF;
	_ =	strace $0x90000046  }
0xb2: {  	s29 =	simm.s32 $0x9;
	_ =	strace $0x80000048  }
0xb3: {  	_ =	swait.ge [sflag:s29], $0x1  }
0xb4: {  	[sflag:s29] =	ssyncadd.s32 $0xFFFFFFFF  }
0xb5: {  	_ =	strace $0x90000048  }
0xb6: {  	_ =	sfence  }
0xb7: {  	s30 =	sld [smem:$0x0];
	_ =	sdelay $0x2  }
0xb8: {  	s31 =	sshll.u32 s1, $0xD;
	s1 =	sshrl.u32 s1, $0x2  }
0xb9: {  	s3 =	sand.u32 $0x4000, s31;
	s1 =	sadd.s32 s1, s30  }
0xba: {  	s0 =	sor.u32 s3, s0;
	s1 =	sshll.u32 s1, $0x11  }
0xbb: {  	s0 =	sor.u32 s1, s0  }
0xbc: {  	s0 =	sadd.s32 $0x8F2B, s0  }
0xbd: {  	[sflag:s0] =	ssyncadd.remote.s32 $0x1  }
0xbe: {  	_ =	sfence.sel $0xFFFF  }
0xbf: {  	[dreg:$0x0] =	wrdreg $0xFFFFFFFF;
	(pc) =	sbr.abs _section_cstart, $3  }
0xc0: {  	[dreg:$0x1] =	wrdreg $0xFFFFFFFF  }
0xc1: {  	_ =	task.clear_ibuf [dreg:s6], $0x2FFFF;
	_ =	strace $0x9FFFFFFF  }
0xc2: {  	(tm) =	ssettm $0x7FFFFFFF  }
0xc3: {  	_ =	shalt  }
tec
execute0_lowered:
.L_overlay_start_1:
0x0: {  	(tag) =	ssettag $0x1  }
0x1: {  	s0 =	srdreg.scid;
	s4 =	rddreg [dreg:$0x0]  }
0x2: {  	s1 =	rddreg [dreg:$0x1];
	s12 =	stileid.u32  }
0x3: {  	s2 =	simm.s32 $0x0;
	s3 =	sand.u32 $0x1, s0;
	s0 =	rddreg [dreg:$0x2]  }
0x4: {  	s10 =	simm.s32 $0x3000;
	s11 =	simm.s32 $0x70;
	[smem:$0x7FF] =	sst s2  }
0x5: {  	s6 =	smul.u32 $0xA00, s12;
	p0 =	sne.s32 s12, $0x0;
	s5 =	sshll.u32 s3, $0x4  }
0x6: {  	_ =	strace $0x80000047;
	s7 =	smul.u32 $0x2800, s3;
	s8 =	ssub.s32 $0x2, s3  }
0x7: {  	s3 =	sadd.s32 $0x18E00, s4;
	s5 =	sor.u32 s12, s5;
	s9 =	sshrl.u32 s8, $0x1  }
0x8: {  	s6 =	sshrl.u32 s6, $0x2;
	s12 =	simm.s32 $0x0;
	s5 =	smul.u32 $0x600, s5  }
0x9: {  	s7 =	sadd.s32 s7, s4;
	s8 =	ssub.s32 s8, s9;
	s9 =	simm.s32 $0x1  }
0xa: {  	s5 =	sadd.s32 s5, s4;
	s4 =	sadd.s32 s6, s1;
	s6 =	sadd.s32 $0x19000, s7  }
0xb: {  	v0 =	vimm.f32 $0.0e+00;
	s7 =	smax.u32 s8, $0x1;
	s8 =	simm.s32 $0x3080;
	s5 =	sadd.s32 $0xCE00, s5  }
.LBB2_1:
0xc: {  	[tilespmem:$0x3080] =	vst v0  }
0xd: {  	[tilespmem:$0x3090] =	vst v0  }
0xe: {  	[tilespmem:$0x30A0] =	vst v0  }
0xf: {  	[tilespmem:$0x30B0] =	vst v0  }
0x10: {  	[tilespmem:$0x30C0] =	vst v0  }
0x11: {  	[tilespmem:$0x30D0] =	vst v0  }
0x12: {  	[tilespmem:$0x30E0] =	vst v0  }
0x13: {  	[tilespmem:$0x30F0] =	vst v0  }
0x14: {  	[tilespmem:$0x3100] =	vst v0  }
0x15: {  	[tilespmem:$0x3110] =	vst v0  }
0x16: {  	[tilespmem:$0x3120] =	vst v0  }
0x17: {  	[tilespmem:$0x3130] =	vst v0  }
0x18: {  	[tilespmem:$0x3140] =	vst v0  }
0x19: {  	[tilespmem:$0x3150] =	vst v0  }
0x1a: {  	[tilespmem:$0x3160] =	vst v0  }
0x1b: {  	[tilespmem:$0x3170] =	vst v0  }
0x1c: {  	[tilespmem:$0x3180] =	vst v0  }
0x1d: {  	[tilespmem:$0x3190] =	vst v0  }
0x1e: {  	[tilespmem:$0x31A0] =	vst v0  }
0x1f: {  	[tilespmem:$0x31B0] =	vst v0  }
0x20: {  	[tilespmem:$0x31C0] =	vst v0  }
0x21: {  	[tilespmem:$0x31D0] =	vst v0  }
0x22: {  	[tilespmem:$0x31E0] =	vst v0  }
0x23: {  	[tilespmem:$0x31F0] =	vst v0  }
0x24: {  	[tilespmem:$0x3200] =	vst v0  }
0x25: {  	[tilespmem:$0x3210] =	vst v0  }
0x26: {  	[tilespmem:$0x3220] =	vst v0  }
0x27: {  	[tilespmem:$0x3230] =	vst v0  }
0x28: {  	[tilespmem:$0x3240] =	vst v0  }
0x29: {  	[tilespmem:$0x3250] =	vst v0  }
0x2a: {  	[tilespmem:$0x3260] =	vst v0  }
0x2b: {  	[tilespmem:$0x3270] =	vst v0  }
0x2c: {  	[tilespmem:$0x3280] =	vst v0  }
0x2d: {  	[tilespmem:$0x3290] =	vst v0  }
0x2e: {  	[tilespmem:$0x32A0] =	vst v0  }
0x2f: {  	[tilespmem:$0x32B0] =	vst v0  }
0x30: {  	[tilespmem:$0x32C0] =	vst v0  }
0x31: {  	[tilespmem:$0x32D0] =	vst v0  }
0x32: {  	[tilespmem:$0x32E0] =	vst v0  }
0x33: {  	[tilespmem:$0x32F0] =	vst v0  }
0x34: {  	[spmem:s4] =	stream.linear.scatter [tilespmem:s8], [sflag:$0x1], $0x280, $0x38;
	[tilespmem:$0x5D80] =	vst v63  }
0x35: {  	_ =	swait.ge [sflag:s9], $0x280  }
0x36: {  	[sflag:s9] =	ssyncset.done $0x0  }
0x37: {  	[sflag:s9] =	ssyncadd.s32 $0xFFFFFD80  }
0x38: {  	[tilespmem:s10], [sflag:$0x1] =	stream.linear.gather [hbm4b:s3+s2], $0x80, $0x38;
	[tilespmem:$0x5D80] =	vst v63  }
0x39: {  	_ =	swait.ge [sflag:s9], $0x80  }
0x3a: {  	[sflag:s9] =	ssyncset.done $0x0  }
0x3b: {  	[sflag:s9] =	ssyncadd.s32 $0xFFFFFF80  }
0x3c: {  	[tilespmem:s2], [sflag:$0x1] =	stream.linear.gather [hbm4b:s5+s2], $0x2D00, $0x38;
	[tilespmem:$0x5D80] =	vst v63  }
0x3d: {  	_ =	swait.ge [sflag:s9], $0x2D00  }
0x3e: {  	[sflag:s9] =	ssyncset.done $0x0  }
0x3f: {  	[sflag:s9] =	ssyncadd.s32 $0xFFFFD300  }
0x40: {  	s13 =	simm.s32 $0x0;
	[bflag:$0x0] =	sbarrier.arrive $0xFFFF  }
0x41: {  	[spmem:s1] =	stream.indirect.scatter.add.f32 [tilespmem:s10], [sflag:$0x1], $0x1, s13, s11, $0xb8;
	[tilespmem:$0x5D80] =	vst v63  }
0x42: {  	_ =	swait.ge [sflag:s9], $0x70  }
0x43: {  	s13 =	simm.s32 $0x200;
	[sflag:s9] =	ssyncset.done $0x0  }
.LBB2_2:
0x44: {  	s14 =	sshra.s32 s13, $0x2;
	[sflag:s9] =	ssyncadd.s32 $0xFFFFFF90;
	p1 =	sne.s32 s13, $0xB200  }
0x45: {  	[spmem:s1] =	stream.indirect.scatter.add.f32 [tilespmem:s10], [sflag:$0x1], $0x1, s14, s11, $0xb8;
	[tilespmem:$0x5D80] =	vst v63  }
.Ltmp0:
0x46: {  	_ = 	snop;
	(pc) =	sbr.rel @p1 .LBB2_2-.Ltmp0, $4  }
0x47: {  	_ = 	snop  }
0x48: {  	s13 =	sadd.s32 $0x200, s13  }
0x49: {  	_ =	swait.ge [sflag:s9], $0x70  }
0x4a: {  	[sflag:s9] =	ssyncset.done $0x0  }
0x4b: {  	[sflag:s9] =	ssyncadd.s32 $0xFFFFFF90  }
0x4c: {  	s13 =	simm.s32 @!p0 $0x3300;
	s14 =	simm.s32 @!p0 $0x1;
	[bflag:$0x0] =	sbarrier.arrive $0xFFFF  }
0x4d: {  	[tilespmem:s13], [sflag:$0x1] =	stream.linear.gather @!p0 [spmem:s1], $0x2800, $0x38;
	[tilespmem:$0x5D80] =	vst v63  }
0x4e: {  	s12 =	sadd.s32 $0x1, s12;
	_ =	swait.ge @!p0 [sflag:s14], $0x2800  }
0x4f: {  	s15 =	simm.s32 @!p0 $0x80;
	p1 =	sne.s32 s12, s7;
	[sflag:s14] =	ssyncset.done @!p0 $0x0  }
.Ltmp1:
0x50: {  	s16 =	simm.s32 @!p0 $0x400;
	[sflag:s14] =	ssyncadd.s32 @!p0 $0xFFFFD800;
	(pc) =	sbr.rel @p1 .LBB2_1-.Ltmp1, $4  }
0x51: {  	[hbm4b:s6+s15] =	stream.strided.scatter @!p0 [tilespmem:s13], [sflag:$0x1], $0x2800, s16, s15, $0x38;
	[tilespmem:$0x5D80] =	vst v63  }
0x52: {  	_ =	swait.ge @!p0 [sflag:s14], $0x2800  }
0x53: {  	[sflag:s14] =	ssyncset.done @!p0 $0x0  }
0x54: {  	[sflag:s14] =	ssyncadd.s32 @!p0 $0xFFFFD800  }
0x55: {  	_ =	sfence.sel $0x180000  }
0x56: {  	[bflag:$0x0] =	sbarrier.arrive $0xFFFF  }
0x57: {  	_ =	strace $0x90000047  }
0x58: {  	s0 =	sadd.s32 @!p0 $0x100000, s0;
	[bflag:$0x2] =	sbarrier.arrive $0xFFFF  }
0x59: {  	[sflag:s0] =	ssyncadd.tile.s32 @!p0 $0x1;
	_ =	shalt  }
.Lfunc_end2:
_tile_overlayer_lowered:
.L_overlay_start_2:
0x5a: {  	(tag) =	ssettag $0x2  }
0x5b: {  	s0 =	rddreg [dreg:$0x0];
	s2 =	stileid.u32  }
0x5c: {  	s1 =	rddreg [dreg:$0x1];
	p0 =	sne.s32 s2, $0x0  }
0x5d: {  	s3 =	rddreg [dreg:$0x2];
	[bflag:$0x3] =	sbarrier.arrive $0xFFFF;
	s2 =	simm.s32 @!p0 $0x1C01  }
0x5e: {  	[timem:s3], [sflag:s2] =	dma.local @!p0 [hbm:s0], s1  }
0x5f: {  	s0 =	simm.s32 @!p0 $0x1  }
0x60: {  	_ =	swait.ge @!p0 [sflag:s0], s1  }
0x61: {  	s1 =	ssub.s32 @!p0 $0x0, s1;
	[sflag:s0] =	ssyncset.done @!p0 $0x0  }
0x62: {  	[sflag:s0] =	ssyncadd.s32 @!p0 s1  }
0x63: {  	[bflag:$0x3] =	sbarrier.arrive $0xFFFF  }
0x64: {  	_ =	shalt  }

</sc_bundles>
